<compile_context>
chip_gen: v7x
topology: tpu7x:2x2x1
jax: 0.10.2.dev20260603
libtpu: 0.0.44.dev20260713+nightly
codegen_flags: <defaults>
</compile_context>

<pallas_src>
import functools

import jax
import jax.numpy as jnp
from jax import lax
from jax.experimental import pallas as pl
from jax.experimental.pallas import tpu as pltpu
from jax.experimental.pallas import tpu_sc as plsc

N = 100000
D = 128
CHUNK = 128
NFULL = N // CHUNK
REM = N - NFULL * CHUNK
NW = 32
MAXLOC = (NFULL + NW - 1) // NW
TAIL_WORKER = NFULL % NW
NBUF = 6


def _scatter_rows(x, idx):
    mesh = plsc.VectorSubcoreMesh(core_axis_name="c", subcore_axis_name="s")

    @functools.partial(
        pl.kernel,
        mesh=mesh,
        out_type=jax.ShapeDtypeStruct((N, D), jnp.float32),
        scratch_types=(
            [pltpu.VMEM((CHUNK,), jnp.int32) for _ in range(NBUF)]
            + [pltpu.VMEM((CHUNK, D), jnp.float32) for _ in range(NBUF)]
            + [pltpu.VMEM((REM,), jnp.int32),
               pltpu.VMEM((REM, D), jnp.float32)]
            + [pltpu.SemaphoreType.DMA for _ in range(2 * NBUF)]
        ),
    )
    def k(x_hbm, idx_hbm, out_hbm,
          ib0, ib1, ib2, ib3, ib4, ib5, xb0, xb1, xb2, xb3, xb4, xb5,
          it, xt,
          l0, l1, l2, l3, l4, l5, s0, s1, s2, s3, s4, s5):
        wid = lax.axis_index("s") * 2 + lax.axis_index("c")
        nloc = (NFULL - wid + NW - 1) // NW

        ibs, xbs = (ib0, ib1, ib2, ib3, ib4, ib5), (xb0, xb1, xb2, xb3, xb4, xb5)
        ls, ss = (l0, l1, l2, l3, l4, l5), (s0, s1, s2, s3, s4, s5)

        def issue_loads(i, b):
            base = (wid + i * NW) * CHUNK
            pltpu.async_copy(idx_hbm.at[pl.ds(base, CHUNK)], ibs[b], ls[b])
            pltpu.async_copy(x_hbm.at[pl.ds(base, CHUNK)], xbs[b], ls[b])

        def wait_loads(i, b):
            base = (wid + i * NW) * CHUNK
            pltpu.make_async_copy(
                idx_hbm.at[pl.ds(base, CHUNK)], ibs[b], ls[b]).wait()
            pltpu.make_async_copy(
                x_hbm.at[pl.ds(base, CHUNK)], xbs[b], ls[b]).wait()

        def issue_scatter(b):
            pltpu.async_copy(xbs[b], out_hbm.at[ibs[b]], ss[b])

        def wait_scatter(b):
            pltpu.make_async_copy(xbs[b], out_hbm.at[ibs[b]], ss[b]).wait()

        issue_loads(0, 0)
        issue_loads(1, 1)
        issue_loads(2, 2)
        issue_loads(3, 3)

        def group(j, carry):
            for b in range(NBUF):
                i = NBUF * j + b

                @pl.when(i < nloc)
                def _step():
                    wait_loads(i, b)

                    @pl.when(i >= NBUF - 4)
                    def _():
                        wait_scatter((b + 4) % NBUF)

                    @pl.when(i + 4 < nloc)
                    def _():
                        issue_loads(i + 4, (b + 4) % NBUF)

                    issue_scatter(b)
            return carry

        lax.fori_loop(0, (MAXLOC + NBUF - 1) // NBUF, group, 0)

        @pl.when(nloc == MAXLOC)
        def _():
            for t in range(NBUF - 4, 0, -1):
                wait_scatter((MAXLOC - t) % NBUF)

        @pl.when(nloc == MAXLOC - 1)
        def _():
            for t in range(NBUF - 4, 0, -1):
                wait_scatter((MAXLOC - 1 - t) % NBUF)

        @pl.when(wid == TAIL_WORKER)
        def _tail():
            base = NFULL * CHUNK
            pltpu.sync_copy(idx_hbm.at[pl.ds(base, REM)], it)
            pltpu.sync_copy(x_hbm.at[pl.ds(base, REM)], xt)
            pltpu.async_copy(xt, out_hbm.at[it], l0).wait()

    return k(x, idx)


def kernel(x, idx):
    return _scatter_rows(x, idx.astype(jnp.int32))

# --- scband reference (transcript-rebuilt; emitter-appended) ---
"""Pipeline reference for scband-unpooling-32212254720653 (READ-ONLY COPY).

The authoritative reference and input builder live on the scoring server;
editing this copy changes nothing except your own understanding.
"""

import jax, jax.numpy as jnp
import numpy as np


def setup_inputs(seed: int = 0) -> dict:
    key = jax.random.key(seed)
    k1, k2 = jax.random.split(key)
    x = jax.random.normal(k1, (100000, 128), dtype=jnp.float32)
    # arange fill: unique, in-range indices (typical for unpooling, which inverts a pooling selection)
    idx = jnp.arange(100000, dtype=jnp.int64)
    return {"x": x, "idx": idx}


def reference(x, idx):
    # new_h = zeros(x.size(0), x.size(1)); new_h[idx] = x  (scatter-overwrite)
    new_h = jnp.zeros((x.shape[0], x.shape[1]), dtype=x.dtype)
    new_h = new_h.at[idx].set(x)
    return new_h

if __name__ == "__main__":
    import jax
    _d = setup_inputs()
    print(jax.jit(kernel)(*tuple(_d.values())))

</pallas_src>

<mosaic_0001>
#map = affine_map<(d0, d1) -> (0, 0)>
#map1 = affine_map<(d0, d1) -> (0)>
module attributes {stable_mosaic.version = 14 : i64} {
  func.func @k(%arg0: i32, %arg1: i32, %arg2: memref<100000x128xf32, #tpu.memory_space<hbm>>, %arg3: memref<100000xi32, #tpu.memory_space<hbm>>, %arg4: memref<100000x128xf32, #tpu.memory_space<hbm>>, %arg5: memref<128xi32, #tpu.memory_space<vmem>>, %arg6: memref<128xi32, #tpu.memory_space<vmem>>, %arg7: memref<128xi32, #tpu.memory_space<vmem>>, %arg8: memref<128xi32, #tpu.memory_space<vmem>>, %arg9: memref<128xi32, #tpu.memory_space<vmem>>, %arg10: memref<128xi32, #tpu.memory_space<vmem>>, %arg11: memref<128x128xf32, #tpu.memory_space<vmem>>, %arg12: memref<128x128xf32, #tpu.memory_space<vmem>>, %arg13: memref<128x128xf32, #tpu.memory_space<vmem>>, %arg14: memref<128x128xf32, #tpu.memory_space<vmem>>, %arg15: memref<128x128xf32, #tpu.memory_space<vmem>>, %arg16: memref<128x128xf32, #tpu.memory_space<vmem>>, %arg17: memref<32xi32, #tpu.memory_space<vmem>>, %arg18: memref<32x128xf32, #tpu.memory_space<vmem>>, %arg19: memref<!tpu.dma_semaphore, #tpu.memory_space<semaphore_mem>>, %arg20: memref<!tpu.dma_semaphore, #tpu.memory_space<semaphore_mem>>, %arg21: memref<!tpu.dma_semaphore, #tpu.memory_space<semaphore_mem>>, %arg22: memref<!tpu.dma_semaphore, #tpu.memory_space<semaphore_mem>>, %arg23: memref<!tpu.dma_semaphore, #tpu.memory_space<semaphore_mem>>, %arg24: memref<!tpu.dma_semaphore, #tpu.memory_space<semaphore_mem>>, %arg25: memref<!tpu.dma_semaphore, #tpu.memory_space<semaphore_mem>>, %arg26: memref<!tpu.dma_semaphore, #tpu.memory_space<semaphore_mem>>, %arg27: memref<!tpu.dma_semaphore, #tpu.memory_space<semaphore_mem>>, %arg28: memref<!tpu.dma_semaphore, #tpu.memory_space<semaphore_mem>>, %arg29: memref<!tpu.dma_semaphore, #tpu.memory_space<semaphore_mem>>, %arg30: memref<!tpu.dma_semaphore, #tpu.memory_space<semaphore_mem>>) attributes {dimension_semantics = [#tpu.dimension_semantics<core_parallel>, #tpu.dimension_semantics<subcore_parallel>], iteration_bounds = array<i64: 2, 16>, scalar_prefetch = 0 : i64, scratch_operands = 26 : i64, tpu.core_type = #tpu.core_type<sc_vector_subcore>, window_params = [{transform_indices = #map}, {transform_indices = #map1}, {transform_indices = #map}]} {
    %mul3A = arith.constant 2 : i32
    %mul3A_0 = arith.muli %arg1, %mul3A : i32
    %add3A = arith.addi %mul3A_0, %arg0 : i32
    %sub3A = arith.constant 781 : i32
    %sub3A_1 = arith.subi %sub3A, %add3A : i32
    %add3A_2 = arith.constant 32 : i32
    %add3A_3 = arith.addi %sub3A_1, %add3A_2 : i32
    %sub3A_4 = arith.constant 1 : i32
    %sub3A_5 = arith.subi %add3A_3, %sub3A_4 : i32
    %jit3A = arith.constant 32 : i32
    %div3A = arith.divsi %sub3A_5, %jit3A : i32
    %sign3A = arith.constant 0 : i32
    %sign3A_6 = arith.cmpi sgt, %sub3A_5, %sign3A : i32
    %sign3A_7 = arith.extui %sign3A_6 : i1 to i32
    %sign3A_8 = arith.constant 0 : i32
    %sign3A_9 = arith.cmpi slt, %sub3A_5, %sign3A_8 : i32
    %sign3A_10 = arith.extui %sign3A_9 : i1 to i32
    %sign3A_11 = arith.subi %sign3A_7, %sign3A_10 : i32
    %sign3A_12 = arith.constant 0 : i32
    %sign3A_13 = arith.cmpi sgt, %jit3A, %sign3A_12 : i32
    %sign3A_14 = arith.extui %sign3A_13 : i1 to i32
    %sign3A_15 = arith.constant 0 : i32
    %sign3A_16 = arith.cmpi slt, %jit3A, %sign3A_15 : i32
    %sign3A_17 = arith.extui %sign3A_16 : i1 to i32
    %sign3A_18 = arith.subi %sign3A_14, %sign3A_17 : i32
    %ne3A = arith.cmpi ne, %sign3A_11, %sign3A_18 : i32
    %rem3A = arith.remsi %sub3A_5, %jit3A : i32
    %ne3A_19 = arith.constant 0 : i32
    %ne3A_20 = arith.cmpi ne, %rem3A, %ne3A_19 : i32
    %and3A = arith.andi %ne3A, %ne3A_20 : i1
    %sub3A_21 = arith.constant 1 : i32
    %sub3A_22 = arith.subi %div3A, %sub3A_21 : i32
    %select_n3A = arith.select %and3A, %sub3A_22, %div3A : i32
    %add3A_23 = arith.constant 0 : i32
    %add3A_24 = arith.addi %add3A, %add3A_23 : i32
    %mul3A_25 = arith.constant 128 : i32
    %mul3A_26 = arith.muli %add3A_24, %mul3A_25 : i32
    %dma_start3A = tpu.memref_slice %arg3[%mul3A_26] : memref<100000xi32, #tpu.memory_space<hbm>> -> memref<128xi32, #tpu.memory_space<hbm>>
    %dma_start3A_27 = tpu.memref_slice %arg3[%mul3A_26] : memref<100000xi32, #tpu.memory_space<hbm>> -> memref<128xi32, #tpu.memory_space<hbm>>
    tpu.enqueue_dma source(%dma_start3A_27 : memref<128xi32, #tpu.memory_space<hbm>>) target(%arg5 : memref<128xi32, #tpu.memory_space<vmem>>) target_semaphore(%arg19 : memref<!tpu.dma_semaphore, #tpu.memory_space<semaphore_mem>>)
    %dma_start3A_28 = arith.constant 0 : i32
    %dma_start3A_29 = tpu.memref_slice %arg2[%mul3A_26, %dma_start3A_28] : memref<100000x128xf32, #tpu.memory_space<hbm>> -> memref<128x128xf32, #tpu.memory_space<hbm>>
    %dma_start3A_30 = arith.constant 0 : i32
    %dma_start3A_31 = tpu.memref_slice %arg2[%mul3A_26, %dma_start3A_30] : memref<100000x128xf32, #tpu.memory_space<hbm>> -> memref<128x128xf32, #tpu.memory_space<hbm>>
    tpu.enqueue_dma source(%dma_start3A_31 : memref<128x128xf32, #tpu.memory_space<hbm>>) target(%arg11 : memref<128x128xf32, #tpu.memory_space<vmem>>) target_semaphore(%arg19 : memref<!tpu.dma_semaphore, #tpu.memory_space<semaphore_mem>>)
    %add3A_32 = arith.constant 32 : i32
    %add3A_33 = arith.addi %add3A, %add3A_32 : i32
    %mul3A_34 = arith.constant 128 : i32
    %mul3A_35 = arith.muli %add3A_33, %mul3A_34 : i32
    %dma_start3A_36 = tpu.memref_slice %arg3[%mul3A_35] : memref<100000xi32, #tpu.memory_space<hbm>> -> memref<128xi32, #tpu.memory_space<hbm>>
    %dma_start3A_37 = tpu.memref_slice %arg3[%mul3A_35] : memref<100000xi32, #tpu.memory_space<hbm>> -> memref<128xi32, #tpu.memory_space<hbm>>
    tpu.enqueue_dma source(%dma_start3A_37 : memref<128xi32, #tpu.memory_space<hbm>>) target(%arg6 : memref<128xi32, #tpu.memory_space<vmem>>) target_semaphore(%arg20 : memref<!tpu.dma_semaphore, #tpu.memory_space<semaphore_mem>>)
    %dma_start3A_38 = arith.constant 0 : i32
    %dma_start3A_39 = tpu.memref_slice %arg2[%mul3A_35, %dma_start3A_38] : memref<100000x128xf32, #tpu.memory_space<hbm>> -> memref<128x128xf32, #tpu.memory_space<hbm>>
    %dma_start3A_40 = arith.constant 0 : i32
    %dma_start3A_41 = tpu.memref_slice %arg2[%mul3A_35, %dma_start3A_40] : memref<100000x128xf32, #tpu.memory_space<hbm>> -> memref<128x128xf32, #tpu.memory_space<hbm>>
    tpu.enqueue_dma source(%dma_start3A_41 : memref<128x128xf32, #tpu.memory_space<hbm>>) target(%arg12 : memref<128x128xf32, #tpu.memory_space<vmem>>) target_semaphore(%arg20 : memref<!tpu.dma_semaphore, #tpu.memory_space<semaphore_mem>>)
    %add3A_42 = arith.constant 64 : i32
    %add3A_43 = arith.addi %add3A, %add3A_42 : i32
    %mul3A_44 = arith.constant 128 : i32
    %mul3A_45 = arith.muli %add3A_43, %mul3A_44 : i32
    %dma_start3A_46 = tpu.memref_slice %arg3[%mul3A_45] : memref<100000xi32, #tpu.memory_space<hbm>> -> memref<128xi32, #tpu.memory_space<hbm>>
    %dma_start3A_47 = tpu.memref_slice %arg3[%mul3A_45] : memref<100000xi32, #tpu.memory_space<hbm>> -> memref<128xi32, #tpu.memory_space<hbm>>
    tpu.enqueue_dma source(%dma_start3A_47 : memref<128xi32, #tpu.memory_space<hbm>>) target(%arg7 : memref<128xi32, #tpu.memory_space<vmem>>) target_semaphore(%arg21 : memref<!tpu.dma_semaphore, #tpu.memory_space<semaphore_mem>>)
    %dma_start3A_48 = arith.constant 0 : i32
    %dma_start3A_49 = tpu.memref_slice %arg2[%mul3A_45, %dma_start3A_48] : memref<100000x128xf32, #tpu.memory_space<hbm>> -> memref<128x128xf32, #tpu.memory_space<hbm>>
    %dma_start3A_50 = arith.constant 0 : i32
    %dma_start3A_51 = tpu.memref_slice %arg2[%mul3A_45, %dma_start3A_50] : memref<100000x128xf32, #tpu.memory_space<hbm>> -> memref<128x128xf32, #tpu.memory_space<hbm>>
    tpu.enqueue_dma source(%dma_start3A_51 : memref<128x128xf32, #tpu.memory_space<hbm>>) target(%arg13 : memref<128x128xf32, #tpu.memory_space<vmem>>) target_semaphore(%arg21 : memref<!tpu.dma_semaphore, #tpu.memory_space<semaphore_mem>>)
    %add3A_52 = arith.constant 96 : i32
    %add3A_53 = arith.addi %add3A, %add3A_52 : i32
    %mul3A_54 = arith.constant 128 : i32
    %mul3A_55 = arith.muli %add3A_53, %mul3A_54 : i32
    %dma_start3A_56 = tpu.memref_slice %arg3[%mul3A_55] : memref<100000xi32, #tpu.memory_space<hbm>> -> memref<128xi32, #tpu.memory_space<hbm>>
    %dma_start3A_57 = tpu.memref_slice %arg3[%mul3A_55] : memref<100000xi32, #tpu.memory_space<hbm>> -> memref<128xi32, #tpu.memory_space<hbm>>
    tpu.enqueue_dma source(%dma_start3A_57 : memref<128xi32, #tpu.memory_space<hbm>>) target(%arg8 : memref<128xi32, #tpu.memory_space<vmem>>) target_semaphore(%arg22 : memref<!tpu.dma_semaphore, #tpu.memory_space<semaphore_mem>>)
    %dma_start3A_58 = arith.constant 0 : i32
    %dma_start3A_59 = tpu.memref_slice %arg2[%mul3A_55, %dma_start3A_58] : memref<100000x128xf32, #tpu.memory_space<hbm>> -> memref<128x128xf32, #tpu.memory_space<hbm>>
    %dma_start3A_60 = arith.constant 0 : i32
    %dma_start3A_61 = tpu.memref_slice %arg2[%mul3A_55, %dma_start3A_60] : memref<100000x128xf32, #tpu.memory_space<hbm>> -> memref<128x128xf32, #tpu.memory_space<hbm>>
    tpu.enqueue_dma source(%dma_start3A_61 : memref<128x128xf32, #tpu.memory_space<hbm>>) target(%arg14 : memref<128x128xf32, #tpu.memory_space<vmem>>) target_semaphore(%arg22 : memref<!tpu.dma_semaphore, #tpu.memory_space<semaphore_mem>>)
    %scan3A = arith.constant 0 : i32
    %scan3A_62 = arith.constant 0 : i32
    %scan3A_63 = arith.constant 5 : i32
    %scan3A_64 = arith.addi %scan3A_62, %scan3A_63 : i32
    %scan3A_65 = arith.constant 1 : i32
    scf.for %scan3A_79 = %scan3A_62 to %scan3A_64 step %scan3A_65  : i32 {
      %mul3A_80 = arith.constant 6 : i32
      %mul3A_81 = arith.muli %mul3A_80, %scan3A_79 : i32
      %add3A_82 = arith.constant 0 : i32
      %add3A_83 = arith.addi %mul3A_81, %add3A_82 : i32
      %lt3A = arith.cmpi slt, %add3A_83, %select_n3A : i32
      %convert_element_type3A_84 = arith.extui %lt3A : i1 to i32
      %cond3A_85 = arith.constant 0 : i32
      %cond3A_86 = arith.cmpi ne, %convert_element_type3A_84, %cond3A_85 : i32
      scf.if %cond3A_86 {
        %mul3A_127 = arith.constant 32 : i32
        %mul3A_128 = arith.muli %add3A_83, %mul3A_127 : i32
        %add3A_129 = arith.addi %add3A, %mul3A_128 : i32
        %mul3A_130 = arith.constant 128 : i32
        %mul3A_131 = arith.muli %add3A_129, %mul3A_130 : i32
        %dma_wait3A = tpu.memref_slice %arg3[%mul3A_131] : memref<100000xi32, #tpu.memory_space<hbm>> -> memref<128xi32, #tpu.memory_space<hbm>>
        %dma_wait3A_132 = tpu.memref_slice %arg3[%mul3A_131] : memref<100000xi32, #tpu.memory_space<hbm>> -> memref<128xi32, #tpu.memory_space<hbm>>
        tpu.wait_dma2 semaphore(%arg19 : memref<!tpu.dma_semaphore, #tpu.memory_space<semaphore_mem>>) src(%dma_wait3A_132 : memref<128xi32, #tpu.memory_space<hbm>>) dst(%arg5 : memref<128xi32, #tpu.memory_space<vmem>>)
        %dma_wait3A_133 = arith.constant 0 : i32
        %dma_wait3A_134 = tpu.memref_slice %arg2[%mul3A_131, %dma_wait3A_133] : memref<100000x128xf32, #tpu.memory_space<hbm>> -> memref<128x128xf32, #tpu.memory_space<hbm>>
        %dma_wait3A_135 = arith.constant 0 : i32
        %dma_wait3A_136 = tpu.memref_slice %arg2[%mul3A_131, %dma_wait3A_135] : memref<100000x128xf32, #tpu.memory_space<hbm>> -> memref<128x128xf32, #tpu.memory_space<hbm>>
        tpu.wait_dma2 semaphore(%arg19 : memref<!tpu.dma_semaphore, #tpu.memory_space<semaphore_mem>>) src(%dma_wait3A_136 : memref<128x128xf32, #tpu.memory_space<hbm>>) dst(%arg11 : memref<128x128xf32, #tpu.memory_space<vmem>>)
        %ge3A = arith.constant 2 : i32
        %ge3A_137 = arith.cmpi sge, %add3A_83, %ge3A : i32
        %convert_element_type3A_138 = arith.extui %ge3A_137 : i1 to i32
        %cond3A_139 = arith.constant 0 : i32
        %cond3A_140 = arith.cmpi ne, %convert_element_type3A_138, %cond3A_139 : i32
        scf.if %cond3A_140 {
          %dma_wait3A_150 = arith.constant 0 : i32
          %dma_wait3A_151 = arith.constant 0 : i32
          %dma_wait3A_152 = tpu.memref_slice %arg4[%dma_wait3A_150, %dma_wait3A_151] : memref<100000x128xf32, #tpu.memory_space<hbm>> -> memref<100000x128xf32, #tpu.memory_space<hbm>>
          tpu.wait_indirect_dma semaphore(%arg29 : memref<!tpu.dma_semaphore, #tpu.memory_space<semaphore_mem>>) src(%arg15 : memref<128x128xf32, #tpu.memory_space<vmem>>) dst(%dma_wait3A_152 : memref<100000x128xf32, #tpu.memory_space<hbm>>)
        } else {
        }
        %add3A_141 = arith.constant 4 : i32
        %add3A_142 = arith.addi %add3A_83, %add3A_141 : i32
        %lt3A_143 = arith.cmpi slt, %add3A_142, %select_n3A : i32
        %convert_element_type3A_144 = arith.extui %lt3A_143 : i1 to i32
        %cond3A_145 = arith.constant 0 : i32
        %cond3A_146 = arith.cmpi ne, %convert_element_type3A_144, %cond3A_145 : i32
        scf.if %cond3A_146 {
          %add3A_150 = arith.constant 4 : i32
          %add3A_151 = arith.addi %add3A_83, %add3A_150 : i32
          %mul3A_152 = arith.constant 32 : i32
          %mul3A_153 = arith.muli %add3A_151, %mul3A_152 : i32
          %add3A_154 = arith.addi %add3A, %mul3A_153 : i32
          %mul3A_155 = arith.constant 128 : i32
          %mul3A_156 = arith.muli %add3A_154, %mul3A_155 : i32
          %dma_start3A_157 = tpu.memref_slice %arg3[%mul3A_156] : memref<100000xi32, #tpu.memory_space<hbm>> -> memref<128xi32, #tpu.memory_space<hbm>>
          %dma_start3A_158 = tpu.memref_slice %arg3[%mul3A_156] : memref<100000xi32, #tpu.memory_space<hbm>> -> memref<128xi32, #tpu.memory_space<hbm>>
          tpu.enqueue_dma source(%dma_start3A_158 : memref<128xi32, #tpu.memory_space<hbm>>) target(%arg9 : memref<128xi32, #tpu.memory_space<vmem>>) target_semaphore(%arg23 : memref<!tpu.dma_semaphore, #tpu.memory_space<semaphore_mem>>)
          %dma_start3A_159 = arith.constant 0 : i32
          %dma_start3A_160 = tpu.memref_slice %arg2[%mul3A_156, %dma_start3A_159] : memref<100000x128xf32, #tpu.memory_space<hbm>> -> memref<128x128xf32, #tpu.memory_space<hbm>>
          %dma_start3A_161 = arith.constant 0 : i32
          %dma_start3A_162 = tpu.memref_slice %arg2[%mul3A_156, %dma_start3A_161] : memref<100000x128xf32, #tpu.memory_space<hbm>> -> memref<128x128xf32, #tpu.memory_space<hbm>>
          tpu.enqueue_dma source(%dma_start3A_162 : memref<128x128xf32, #tpu.memory_space<hbm>>) target(%arg15 : memref<128x128xf32, #tpu.memory_space<vmem>>) target_semaphore(%arg23 : memref<!tpu.dma_semaphore, #tpu.memory_space<semaphore_mem>>)
        } else {
        }
        %dma_start3A_147 = arith.constant 0 : i32
        %dma_start3A_148 = arith.constant 0 : i32
        %dma_start3A_149 = tpu.memref_slice %arg4[%dma_start3A_147, %dma_start3A_148] : memref<100000x128xf32, #tpu.memory_space<hbm>> -> memref<100000x128xf32, #tpu.memory_space<hbm>>
        tpu.enqueue_indirect_dma source(%arg11 : memref<128x128xf32, #tpu.memory_space<vmem>>) target(%dma_start3A_149 : memref<100000x128xf32, #tpu.memory_space<hbm>>) offsets(%arg5 : memref<128xi32, #tpu.memory_space<vmem>>) semaphore(%arg25 : memref<!tpu.dma_semaphore, #tpu.memory_space<semaphore_mem>>)
      } else {
      }
      %mul3A_87 = arith.constant 6 : i32
      %mul3A_88 = arith.muli %mul3A_87, %scan3A_79 : i32
      %add3A_89 = arith.constant 1 : i32
      %add3A_90 = arith.addi %mul3A_88, %add3A_89 : i32
      %lt3A_91 = arith.cmpi slt, %add3A_90, %select_n3A : i32
      %convert_element_type3A_92 = arith.extui %lt3A_91 : i1 to i32
      %cond3A_93 = arith.constant 0 : i32
      %cond3A_94 = arith.cmpi ne, %convert_element_type3A_92, %cond3A_93 : i32
      scf.if %cond3A_94 {
        %mul3A_127 = arith.constant 32 : i32
        %mul3A_128 = arith.muli %add3A_90, %mul3A_127 : i32
        %add3A_129 = arith.addi %add3A, %mul3A_128 : i32
        %mul3A_130 = arith.constant 128 : i32
        %mul3A_131 = arith.muli %add3A_129, %mul3A_130 : i32
        %dma_wait3A = tpu.memref_slice %arg3[%mul3A_131] : memref<100000xi32, #tpu.memory_space<hbm>> -> memref<128xi32, #tpu.memory_space<hbm>>
        %dma_wait3A_132 = tpu.memref_slice %arg3[%mul3A_131] : memref<100000xi32, #tpu.memory_space<hbm>> -> memref<128xi32, #tpu.memory_space<hbm>>
        tpu.wait_dma2 semaphore(%arg20 : memref<!tpu.dma_semaphore, #tpu.memory_space<semaphore_mem>>) src(%dma_wait3A_132 : memref<128xi32, #tpu.memory_space<hbm>>) dst(%arg6 : memref<128xi32, #tpu.memory_space<vmem>>)
        %dma_wait3A_133 = arith.constant 0 : i32
        %dma_wait3A_134 = tpu.memref_slice %arg2[%mul3A_131, %dma_wait3A_133] : memref<100000x128xf32, #tpu.memory_space<hbm>> -> memref<128x128xf32, #tpu.memory_space<hbm>>
        %dma_wait3A_135 = arith.constant 0 : i32
        %dma_wait3A_136 = tpu.memref_slice %arg2[%mul3A_131, %dma_wait3A_135] : memref<100000x128xf32, #tpu.memory_space<hbm>> -> memref<128x128xf32, #tpu.memory_space<hbm>>
        tpu.wait_dma2 semaphore(%arg20 : memref<!tpu.dma_semaphore, #tpu.memory_space<semaphore_mem>>) src(%dma_wait3A_136 : memref<128x128xf32, #tpu.memory_space<hbm>>) dst(%arg12 : memref<128x128xf32, #tpu.memory_space<vmem>>)
        %ge3A = arith.constant 2 : i32
        %ge3A_137 = arith.cmpi sge, %add3A_90, %ge3A : i32
        %convert_element_type3A_138 = arith.extui %ge3A_137 : i1 to i32
        %cond3A_139 = arith.constant 0 : i32
        %cond3A_140 = arith.cmpi ne, %convert_element_type3A_138, %cond3A_139 : i32
        scf.if %cond3A_140 {
          %dma_wait3A_150 = arith.constant 0 : i32
          %dma_wait3A_151 = arith.constant 0 : i32
          %dma_wait3A_152 = tpu.memref_slice %arg4[%dma_wait3A_150, %dma_wait3A_151] : memref<100000x128xf32, #tpu.memory_space<hbm>> -> memref<100000x128xf32, #tpu.memory_space<hbm>>
          tpu.wait_indirect_dma semaphore(%arg30 : memref<!tpu.dma_semaphore, #tpu.memory_space<semaphore_mem>>) src(%arg16 : memref<128x128xf32, #tpu.memory_space<vmem>>) dst(%dma_wait3A_152 : memref<100000x128xf32, #tpu.memory_space<hbm>>)
        } else {
        }
        %add3A_141 = arith.constant 4 : i32
        %add3A_142 = arith.addi %add3A_90, %add3A_141 : i32
        %lt3A_143 = arith.cmpi slt, %add3A_142, %select_n3A : i32
        %convert_element_type3A_144 = arith.extui %lt3A_143 : i1 to i32
        %cond3A_145 = arith.constant 0 : i32
        %cond3A_146 = arith.cmpi ne, %convert_element_type3A_144, %cond3A_145 : i32
        scf.if %cond3A_146 {
          %add3A_150 = arith.constant 4 : i32
          %add3A_151 = arith.addi %add3A_90, %add3A_150 : i32
          %mul3A_152 = arith.constant 32 : i32
          %mul3A_153 = arith.muli %add3A_151, %mul3A_152 : i32
          %add3A_154 = arith.addi %add3A, %mul3A_153 : i32
          %mul3A_155 = arith.constant 128 : i32
          %mul3A_156 = arith.muli %add3A_154, %mul3A_155 : i32
          %dma_start3A_157 = tpu.memref_slice %arg3[%mul3A_156] : memref<100000xi32, #tpu.memory_space<hbm>> -> memref<128xi32, #tpu.memory_space<hbm>>
          %dma_start3A_158 = tpu.memref_slice %arg3[%mul3A_156] : memref<100000xi32, #tpu.memory_space<hbm>> -> memref<128xi32, #tpu.memory_space<hbm>>
          tpu.enqueue_dma source(%dma_start3A_158 : memref<128xi32, #tpu.memory_space<hbm>>) target(%arg10 : memref<128xi32, #tpu.memory_space<vmem>>) target_semaphore(%arg24 : memref<!tpu.dma_semaphore, #tpu.memory_space<semaphore_mem>>)
          %dma_start3A_159 = arith.constant 0 : i32
          %dma_start3A_160 = tpu.memref_slice %arg2[%mul3A_156, %dma_start3A_159] : memref<100000x128xf32, #tpu.memory_space<hbm>> -> memref<128x128xf32, #tpu.memory_space<hbm>>
          %dma_start3A_161 = arith.constant 0 : i32
          %dma_start3A_162 = tpu.memref_slice %arg2[%mul3A_156, %dma_start3A_161] : memref<100000x128xf32, #tpu.memory_space<hbm>> -> memref<128x128xf32, #tpu.memory_space<hbm>>
          tpu.enqueue_dma source(%dma_start3A_162 : memref<128x128xf32, #tpu.memory_space<hbm>>) target(%arg16 : memref<128x128xf32, #tpu.memory_space<vmem>>) target_semaphore(%arg24 : memref<!tpu.dma_semaphore, #tpu.memory_space<semaphore_mem>>)
        } else {
        }
        %dma_start3A_147 = arith.constant 0 : i32
        %dma_start3A_148 = arith.constant 0 : i32
        %dma_start3A_149 = tpu.memref_slice %arg4[%dma_start3A_147, %dma_start3A_148] : memref<100000x128xf32, #tpu.memory_space<hbm>> -> memref<100000x128xf32, #tpu.memory_space<hbm>>
        tpu.enqueue_indirect_dma source(%arg12 : memref<128x128xf32, #tpu.memory_space<vmem>>) target(%dma_start3A_149 : memref<100000x128xf32, #tpu.memory_space<hbm>>) offsets(%arg6 : memref<128xi32, #tpu.memory_space<vmem>>) semaphore(%arg26 : memref<!tpu.dma_semaphore, #tpu.memory_space<semaphore_mem>>)
      } else {
      }
      %mul3A_95 = arith.constant 6 : i32
      %mul3A_96 = arith.muli %mul3A_95, %scan3A_79 : i32
      %add3A_97 = arith.constant 2 : i32
      %add3A_98 = arith.addi %mul3A_96, %add3A_97 : i32
      %lt3A_99 = arith.cmpi slt, %add3A_98, %select_n3A : i32
      %convert_element_type3A_100 = arith.extui %lt3A_99 : i1 to i32
      %cond3A_101 = arith.constant 0 : i32
      %cond3A_102 = arith.cmpi ne, %convert_element_type3A_100, %cond3A_101 : i32
      scf.if %cond3A_102 {
        %mul3A_127 = arith.constant 32 : i32
        %mul3A_128 = arith.muli %add3A_98, %mul3A_127 : i32
        %add3A_129 = arith.addi %add3A, %mul3A_128 : i32
        %mul3A_130 = arith.constant 128 : i32
        %mul3A_131 = arith.muli %add3A_129, %mul3A_130 : i32
        %dma_wait3A = tpu.memref_slice %arg3[%mul3A_131] : memref<100000xi32, #tpu.memory_space<hbm>> -> memref<128xi32, #tpu.memory_space<hbm>>
        %dma_wait3A_132 = tpu.memref_slice %arg3[%mul3A_131] : memref<100000xi32, #tpu.memory_space<hbm>> -> memref<128xi32, #tpu.memory_space<hbm>>
        tpu.wait_dma2 semaphore(%arg21 : memref<!tpu.dma_semaphore, #tpu.memory_space<semaphore_mem>>) src(%dma_wait3A_132 : memref<128xi32, #tpu.memory_space<hbm>>) dst(%arg7 : memref<128xi32, #tpu.memory_space<vmem>>)
        %dma_wait3A_133 = arith.constant 0 : i32
        %dma_wait3A_134 = tpu.memref_slice %arg2[%mul3A_131, %dma_wait3A_133] : memref<100000x128xf32, #tpu.memory_space<hbm>> -> memref<128x128xf32, #tpu.memory_space<hbm>>
        %dma_wait3A_135 = arith.constant 0 : i32
        %dma_wait3A_136 = tpu.memref_slice %arg2[%mul3A_131, %dma_wait3A_135] : memref<100000x128xf32, #tpu.memory_space<hbm>> -> memref<128x128xf32, #tpu.memory_space<hbm>>
        tpu.wait_dma2 semaphore(%arg21 : memref<!tpu.dma_semaphore, #tpu.memory_space<semaphore_mem>>) src(%dma_wait3A_136 : memref<128x128xf32, #tpu.memory_space<hbm>>) dst(%arg13 : memref<128x128xf32, #tpu.memory_space<vmem>>)
        %ge3A = arith.constant 2 : i32
        %ge3A_137 = arith.cmpi sge, %add3A_98, %ge3A : i32
        %convert_element_type3A_138 = arith.extui %ge3A_137 : i1 to i32
        %cond3A_139 = arith.constant 0 : i32
        %cond3A_140 = arith.cmpi ne, %convert_element_type3A_138, %cond3A_139 : i32
        scf.if %cond3A_140 {
          %dma_wait3A_150 = arith.constant 0 : i32
          %dma_wait3A_151 = arith.constant 0 : i32
          %dma_wait3A_152 = tpu.memref_slice %arg4[%dma_wait3A_150, %dma_wait3A_151] : memref<100000x128xf32, #tpu.memory_space<hbm>> -> memref<100000x128xf32, #tpu.memory_space<hbm>>
          tpu.wait_indirect_dma semaphore(%arg25 : memref<!tpu.dma_semaphore, #tpu.memory_space<semaphore_mem>>) src(%arg11 : memref<128x128xf32, #tpu.memory_space<vmem>>) dst(%dma_wait3A_152 : memref<100000x128xf32, #tpu.memory_space<hbm>>)
        } else {
        }
        %add3A_141 = arith.constant 4 : i32
        %add3A_142 = arith.addi %add3A_98, %add3A_141 : i32
        %lt3A_143 = arith.cmpi slt, %add3A_142, %select_n3A : i32
        %convert_element_type3A_144 = arith.extui %lt3A_143 : i1 to i32
        %cond3A_145 = arith.constant 0 : i32
        %cond3A_146 = arith.cmpi ne, %convert_element_type3A_144, %cond3A_145 : i32
        scf.if %cond3A_146 {
          %add3A_150 = arith.constant 4 : i32
          %add3A_151 = arith.addi %add3A_98, %add3A_150 : i32
          %mul3A_152 = arith.constant 32 : i32
          %mul3A_153 = arith.muli %add3A_151, %mul3A_152 : i32
          %add3A_154 = arith.addi %add3A, %mul3A_153 : i32
          %mul3A_155 = arith.constant 128 : i32
          %mul3A_156 = arith.muli %add3A_154, %mul3A_155 : i32
          %dma_start3A_157 = tpu.memref_slice %arg3[%mul3A_156] : memref<100000xi32, #tpu.memory_space<hbm>> -> memref<128xi32, #tpu.memory_space<hbm>>
          %dma_start3A_158 = tpu.memref_slice %arg3[%mul3A_156] : memref<100000xi32, #tpu.memory_space<hbm>> -> memref<128xi32, #tpu.memory_space<hbm>>
          tpu.enqueue_dma source(%dma_start3A_158 : memref<128xi32, #tpu.memory_space<hbm>>) target(%arg5 : memref<128xi32, #tpu.memory_space<vmem>>) target_semaphore(%arg19 : memref<!tpu.dma_semaphore, #tpu.memory_space<semaphore_mem>>)
          %dma_start3A_159 = arith.constant 0 : i32
          %dma_start3A_160 = tpu.memref_slice %arg2[%mul3A_156, %dma_start3A_159] : memref<100000x128xf32, #tpu.memory_space<hbm>> -> memref<128x128xf32, #tpu.memory_space<hbm>>
          %dma_start3A_161 = arith.constant 0 : i32
          %dma_start3A_162 = tpu.memref_slice %arg2[%mul3A_156, %dma_start3A_161] : memref<100000x128xf32, #tpu.memory_space<hbm>> -> memref<128x128xf32, #tpu.memory_space<hbm>>
          tpu.enqueue_dma source(%dma_start3A_162 : memref<128x128xf32, #tpu.memory_space<hbm>>) target(%arg11 : memref<128x128xf32, #tpu.memory_space<vmem>>) target_semaphore(%arg19 : memref<!tpu.dma_semaphore, #tpu.memory_space<semaphore_mem>>)
        } else {
        }
        %dma_start3A_147 = arith.constant 0 : i32
        %dma_start3A_148 = arith.constant 0 : i32
        %dma_start3A_149 = tpu.memref_slice %arg4[%dma_start3A_147, %dma_start3A_148] : memref<100000x128xf32, #tpu.memory_space<hbm>> -> memref<100000x128xf32, #tpu.memory_space<hbm>>
        tpu.enqueue_indirect_dma source(%arg13 : memref<128x128xf32, #tpu.memory_space<vmem>>) target(%dma_start3A_149 : memref<100000x128xf32, #tpu.memory_space<hbm>>) offsets(%arg7 : memref<128xi32, #tpu.memory_space<vmem>>) semaphore(%arg27 : memref<!tpu.dma_semaphore, #tpu.memory_space<semaphore_mem>>)
      } else {
      }
      %mul3A_103 = arith.constant 6 : i32
      %mul3A_104 = arith.muli %mul3A_103, %scan3A_79 : i32
      %add3A_105 = arith.constant 3 : i32
      %add3A_106 = arith.addi %mul3A_104, %add3A_105 : i32
      %lt3A_107 = arith.cmpi slt, %add3A_106, %select_n3A : i32
      %convert_element_type3A_108 = arith.extui %lt3A_107 : i1 to i32
      %cond3A_109 = arith.constant 0 : i32
      %cond3A_110 = arith.cmpi ne, %convert_element_type3A_108, %cond3A_109 : i32
      scf.if %cond3A_110 {
        %mul3A_127 = arith.constant 32 : i32
        %mul3A_128 = arith.muli %add3A_106, %mul3A_127 : i32
        %add3A_129 = arith.addi %add3A, %mul3A_128 : i32
        %mul3A_130 = arith.constant 128 : i32
        %mul3A_131 = arith.muli %add3A_129, %mul3A_130 : i32
        %dma_wait3A = tpu.memref_slice %arg3[%mul3A_131] : memref<100000xi32, #tpu.memory_space<hbm>> -> memref<128xi32, #tpu.memory_space<hbm>>
        %dma_wait3A_132 = tpu.memref_slice %arg3[%mul3A_131] : memref<100000xi32, #tpu.memory_space<hbm>> -> memref<128xi32, #tpu.memory_space<hbm>>
        tpu.wait_dma2 semaphore(%arg22 : memref<!tpu.dma_semaphore, #tpu.memory_space<semaphore_mem>>) src(%dma_wait3A_132 : memref<128xi32, #tpu.memory_space<hbm>>) dst(%arg8 : memref<128xi32, #tpu.memory_space<vmem>>)
        %dma_wait3A_133 = arith.constant 0 : i32
        %dma_wait3A_134 = tpu.memref_slice %arg2[%mul3A_131, %dma_wait3A_133] : memref<100000x128xf32, #tpu.memory_space<hbm>> -> memref<128x128xf32, #tpu.memory_space<hbm>>
        %dma_wait3A_135 = arith.constant 0 : i32
        %dma_wait3A_136 = tpu.memref_slice %arg2[%mul3A_131, %dma_wait3A_135] : memref<100000x128xf32, #tpu.memory_space<hbm>> -> memref<128x128xf32, #tpu.memory_space<hbm>>
        tpu.wait_dma2 semaphore(%arg22 : memref<!tpu.dma_semaphore, #tpu.memory_space<semaphore_mem>>) src(%dma_wait3A_136 : memref<128x128xf32, #tpu.memory_space<hbm>>) dst(%arg14 : memref<128x128xf32, #tpu.memory_space<vmem>>)
        %ge3A = arith.constant 2 : i32
        %ge3A_137 = arith.cmpi sge, %add3A_106, %ge3A : i32
        %convert_element_type3A_138 = arith.extui %ge3A_137 : i1 to i32
        %cond3A_139 = arith.constant 0 : i32
        %cond3A_140 = arith.cmpi ne, %convert_element_type3A_138, %cond3A_139 : i32
        scf.if %cond3A_140 {
          %dma_wait3A_150 = arith.constant 0 : i32
          %dma_wait3A_151 = arith.constant 0 : i32
          %dma_wait3A_152 = tpu.memref_slice %arg4[%dma_wait3A_150, %dma_wait3A_151] : memref<100000x128xf32, #tpu.memory_space<hbm>> -> memref<100000x128xf32, #tpu.memory_space<hbm>>
          tpu.wait_indirect_dma semaphore(%arg26 : memref<!tpu.dma_semaphore, #tpu.memory_space<semaphore_mem>>) src(%arg12 : memref<128x128xf32, #tpu.memory_space<vmem>>) dst(%dma_wait3A_152 : memref<100000x128xf32, #tpu.memory_space<hbm>>)
        } else {
        }
        %add3A_141 = arith.constant 4 : i32
        %add3A_142 = arith.addi %add3A_106, %add3A_141 : i32
        %lt3A_143 = arith.cmpi slt, %add3A_142, %select_n3A : i32
        %convert_element_type3A_144 = arith.extui %lt3A_143 : i1 to i32
        %cond3A_145 = arith.constant 0 : i32
        %cond3A_146 = arith.cmpi ne, %convert_element_type3A_144, %cond3A_145 : i32
        scf.if %cond3A_146 {
          %add3A_150 = arith.constant 4 : i32
          %add3A_151 = arith.addi %add3A_106, %add3A_150 : i32
          %mul3A_152 = arith.constant 32 : i32
          %mul3A_153 = arith.muli %add3A_151, %mul3A_152 : i32
          %add3A_154 = arith.addi %add3A, %mul3A_153 : i32
          %mul3A_155 = arith.constant 128 : i32
          %mul3A_156 = arith.muli %add3A_154, %mul3A_155 : i32
          %dma_start3A_157 = tpu.memref_slice %arg3[%mul3A_156] : memref<100000xi32, #tpu.memory_space<hbm>> -> memref<128xi32, #tpu.memory_space<hbm>>
          %dma_start3A_158 = tpu.memref_slice %arg3[%mul3A_156] : memref<100000xi32, #tpu.memory_space<hbm>> -> memref<128xi32, #tpu.memory_space<hbm>>
          tpu.enqueue_dma source(%dma_start3A_158 : memref<128xi32, #tpu.memory_space<hbm>>) target(%arg6 : memref<128xi32, #tpu.memory_space<vmem>>) target_semaphore(%arg20 : memref<!tpu.dma_semaphore, #tpu.memory_space<semaphore_mem>>)
          %dma_start3A_159 = arith.constant 0 : i32
          %dma_start3A_160 = tpu.memref_slice %arg2[%mul3A_156, %dma_start3A_159] : memref<100000x128xf32, #tpu.memory_space<hbm>> -> memref<128x128xf32, #tpu.memory_space<hbm>>
          %dma_start3A_161 = arith.constant 0 : i32
          %dma_start3A_162 = tpu.memref_slice %arg2[%mul3A_156, %dma_start3A_161] : memref<100000x128xf32, #tpu.memory_space<hbm>> -> memref<128x128xf32, #tpu.memory_space<hbm>>
          tpu.enqueue_dma source(%dma_start3A_162 : memref<128x128xf32, #tpu.memory_space<hbm>>) target(%arg12 : memref<128x128xf32, #tpu.memory_space<vmem>>) target_semaphore(%arg20 : memref<!tpu.dma_semaphore, #tpu.memory_space<semaphore_mem>>)
        } else {
        }
        %dma_start3A_147 = arith.constant 0 : i32
        %dma_start3A_148 = arith.constant 0 : i32
        %dma_start3A_149 = tpu.memref_slice %arg4[%dma_start3A_147, %dma_start3A_148] : memref<100000x128xf32, #tpu.memory_space<hbm>> -> memref<100000x128xf32, #tpu.memory_space<hbm>>
        tpu.enqueue_indirect_dma source(%arg14 : memref<128x128xf32, #tpu.memory_space<vmem>>) target(%dma_start3A_149 : memref<100000x128xf32, #tpu.memory_space<hbm>>) offsets(%arg8 : memref<128xi32, #tpu.memory_space<vmem>>) semaphore(%arg28 : memref<!tpu.dma_semaphore, #tpu.memory_space<semaphore_mem>>)
      } else {
      }
      %mul3A_111 = arith.constant 6 : i32
      %mul3A_112 = arith.muli %mul3A_111, %scan3A_79 : i32
      %add3A_113 = arith.constant 4 : i32
      %add3A_114 = arith.addi %mul3A_112, %add3A_113 : i32
      %lt3A_115 = arith.cmpi slt, %add3A_114, %select_n3A : i32
      %convert_element_type3A_116 = arith.extui %lt3A_115 : i1 to i32
      %cond3A_117 = arith.constant 0 : i32
      %cond3A_118 = arith.cmpi ne, %convert_element_type3A_116, %cond3A_117 : i32
      scf.if %cond3A_118 {
        %mul3A_127 = arith.constant 32 : i32
        %mul3A_128 = arith.muli %add3A_114, %mul3A_127 : i32
        %add3A_129 = arith.addi %add3A, %mul3A_128 : i32
        %mul3A_130 = arith.constant 128 : i32
        %mul3A_131 = arith.muli %add3A_129, %mul3A_130 : i32
        %dma_wait3A = tpu.memref_slice %arg3[%mul3A_131] : memref<100000xi32, #tpu.memory_space<hbm>> -> memref<128xi32, #tpu.memory_space<hbm>>
        %dma_wait3A_132 = tpu.memref_slice %arg3[%mul3A_131] : memref<100000xi32, #tpu.memory_space<hbm>> -> memref<128xi32, #tpu.memory_space<hbm>>
        tpu.wait_dma2 semaphore(%arg23 : memref<!tpu.dma_semaphore, #tpu.memory_space<semaphore_mem>>) src(%dma_wait3A_132 : memref<128xi32, #tpu.memory_space<hbm>>) dst(%arg9 : memref<128xi32, #tpu.memory_space<vmem>>)
        %dma_wait3A_133 = arith.constant 0 : i32
        %dma_wait3A_134 = tpu.memref_slice %arg2[%mul3A_131, %dma_wait3A_133] : memref<100000x128xf32, #tpu.memory_space<hbm>> -> memref<128x128xf32, #tpu.memory_space<hbm>>
        %dma_wait3A_135 = arith.constant 0 : i32
        %dma_wait3A_136 = tpu.memref_slice %arg2[%mul3A_131, %dma_wait3A_135] : memref<100000x128xf32, #tpu.memory_space<hbm>> -> memref<128x128xf32, #tpu.memory_space<hbm>>
        tpu.wait_dma2 semaphore(%arg23 : memref<!tpu.dma_semaphore, #tpu.memory_space<semaphore_mem>>) src(%dma_wait3A_136 : memref<128x128xf32, #tpu.memory_space<hbm>>) dst(%arg15 : memref<128x128xf32, #tpu.memory_space<vmem>>)
        %ge3A = arith.constant 2 : i32
        %ge3A_137 = arith.cmpi sge, %add3A_114, %ge3A : i32
        %convert_element_type3A_138 = arith.extui %ge3A_137 : i1 to i32
        %cond3A_139 = arith.constant 0 : i32
        %cond3A_140 = arith.cmpi ne, %convert_element_type3A_138, %cond3A_139 : i32
        scf.if %cond3A_140 {
          %dma_wait3A_150 = arith.constant 0 : i32
          %dma_wait3A_151 = arith.constant 0 : i32
          %dma_wait3A_152 = tpu.memref_slice %arg4[%dma_wait3A_150, %dma_wait3A_151] : memref<100000x128xf32, #tpu.memory_space<hbm>> -> memref<100000x128xf32, #tpu.memory_space<hbm>>
          tpu.wait_indirect_dma semaphore(%arg27 : memref<!tpu.dma_semaphore, #tpu.memory_space<semaphore_mem>>) src(%arg13 : memref<128x128xf32, #tpu.memory_space<vmem>>) dst(%dma_wait3A_152 : memref<100000x128xf32, #tpu.memory_space<hbm>>)
        } else {
        }
        %add3A_141 = arith.constant 4 : i32
        %add3A_142 = arith.addi %add3A_114, %add3A_141 : i32
        %lt3A_143 = arith.cmpi slt, %add3A_142, %select_n3A : i32
        %convert_element_type3A_144 = arith.extui %lt3A_143 : i1 to i32
        %cond3A_145 = arith.constant 0 : i32
        %cond3A_146 = arith.cmpi ne, %convert_element_type3A_144, %cond3A_145 : i32
        scf.if %cond3A_146 {
          %add3A_150 = arith.constant 4 : i32
          %add3A_151 = arith.addi %add3A_114, %add3A_150 : i32
          %mul3A_152 = arith.constant 32 : i32
          %mul3A_153 = arith.muli %add3A_151, %mul3A_152 : i32
          %add3A_154 = arith.addi %add3A, %mul3A_153 : i32
          %mul3A_155 = arith.constant 128 : i32
          %mul3A_156 = arith.muli %add3A_154, %mul3A_155 : i32
          %dma_start3A_157 = tpu.memref_slice %arg3[%mul3A_156] : memref<100000xi32, #tpu.memory_space<hbm>> -> memref<128xi32, #tpu.memory_space<hbm>>
          %dma_start3A_158 = tpu.memref_slice %arg3[%mul3A_156] : memref<100000xi32, #tpu.memory_space<hbm>> -> memref<128xi32, #tpu.memory_space<hbm>>
          tpu.enqueue_dma source(%dma_start3A_158 : memref<128xi32, #tpu.memory_space<hbm>>) target(%arg7 : memref<128xi32, #tpu.memory_space<vmem>>) target_semaphore(%arg21 : memref<!tpu.dma_semaphore, #tpu.memory_space<semaphore_mem>>)
          %dma_start3A_159 = arith.constant 0 : i32
          %dma_start3A_160 = tpu.memref_slice %arg2[%mul3A_156, %dma_start3A_159] : memref<100000x128xf32, #tpu.memory_space<hbm>> -> memref<128x128xf32, #tpu.memory_space<hbm>>
          %dma_start3A_161 = arith.constant 0 : i32
          %dma_start3A_162 = tpu.memref_slice %arg2[%mul3A_156, %dma_start3A_161] : memref<100000x128xf32, #tpu.memory_space<hbm>> -> memref<128x128xf32, #tpu.memory_space<hbm>>
          tpu.enqueue_dma source(%dma_start3A_162 : memref<128x128xf32, #tpu.memory_space<hbm>>) target(%arg13 : memref<128x128xf32, #tpu.memory_space<vmem>>) target_semaphore(%arg21 : memref<!tpu.dma_semaphore, #tpu.memory_space<semaphore_mem>>)
        } else {
        }
        %dma_start3A_147 = arith.constant 0 : i32
        %dma_start3A_148 = arith.constant 0 : i32
        %dma_start3A_149 = tpu.memref_slice %arg4[%dma_start3A_147, %dma_start3A_148] : memref<100000x128xf32, #tpu.memory_space<hbm>> -> memref<100000x128xf32, #tpu.memory_space<hbm>>
        tpu.enqueue_indirect_dma source(%arg15 : memref<128x128xf32, #tpu.memory_space<vmem>>) target(%dma_start3A_149 : memref<100000x128xf32, #tpu.memory_space<hbm>>) offsets(%arg9 : memref<128xi32, #tpu.memory_space<vmem>>) semaphore(%arg29 : memref<!tpu.dma_semaphore, #tpu.memory_space<semaphore_mem>>)
      } else {
      }
      %mul3A_119 = arith.constant 6 : i32
      %mul3A_120 = arith.muli %mul3A_119, %scan3A_79 : i32
      %add3A_121 = arith.constant 5 : i32
      %add3A_122 = arith.addi %mul3A_120, %add3A_121 : i32
      %lt3A_123 = arith.cmpi slt, %add3A_122, %select_n3A : i32
      %convert_element_type3A_124 = arith.extui %lt3A_123 : i1 to i32
      %cond3A_125 = arith.constant 0 : i32
      %cond3A_126 = arith.cmpi ne, %convert_element_type3A_124, %cond3A_125 : i32
      scf.if %cond3A_126 {
        %mul3A_127 = arith.constant 32 : i32
        %mul3A_128 = arith.muli %add3A_122, %mul3A_127 : i32
        %add3A_129 = arith.addi %add3A, %mul3A_128 : i32
        %mul3A_130 = arith.constant 128 : i32
        %mul3A_131 = arith.muli %add3A_129, %mul3A_130 : i32
        %dma_wait3A = tpu.memref_slice %arg3[%mul3A_131] : memref<100000xi32, #tpu.memory_space<hbm>> -> memref<128xi32, #tpu.memory_space<hbm>>
        %dma_wait3A_132 = tpu.memref_slice %arg3[%mul3A_131] : memref<100000xi32, #tpu.memory_space<hbm>> -> memref<128xi32, #tpu.memory_space<hbm>>
        tpu.wait_dma2 semaphore(%arg24 : memref<!tpu.dma_semaphore, #tpu.memory_space<semaphore_mem>>) src(%dma_wait3A_132 : memref<128xi32, #tpu.memory_space<hbm>>) dst(%arg10 : memref<128xi32, #tpu.memory_space<vmem>>)
        %dma_wait3A_133 = arith.constant 0 : i32
        %dma_wait3A_134 = tpu.memref_slice %arg2[%mul3A_131, %dma_wait3A_133] : memref<100000x128xf32, #tpu.memory_space<hbm>> -> memref<128x128xf32, #tpu.memory_space<hbm>>
        %dma_wait3A_135 = arith.constant 0 : i32
        %dma_wait3A_136 = tpu.memref_slice %arg2[%mul3A_131, %dma_wait3A_135] : memref<100000x128xf32, #tpu.memory_space<hbm>> -> memref<128x128xf32, #tpu.memory_space<hbm>>
        tpu.wait_dma2 semaphore(%arg24 : memref<!tpu.dma_semaphore, #tpu.memory_space<semaphore_mem>>) src(%dma_wait3A_136 : memref<128x128xf32, #tpu.memory_space<hbm>>) dst(%arg16 : memref<128x128xf32, #tpu.memory_space<vmem>>)
        %ge3A = arith.constant 2 : i32
        %ge3A_137 = arith.cmpi sge, %add3A_122, %ge3A : i32
        %convert_element_type3A_138 = arith.extui %ge3A_137 : i1 to i32
        %cond3A_139 = arith.constant 0 : i32
        %cond3A_140 = arith.cmpi ne, %convert_element_type3A_138, %cond3A_139 : i32
        scf.if %cond3A_140 {
          %dma_wait3A_150 = arith.constant 0 : i32
          %dma_wait3A_151 = arith.constant 0 : i32
          %dma_wait3A_152 = tpu.memref_slice %arg4[%dma_wait3A_150, %dma_wait3A_151] : memref<100000x128xf32, #tpu.memory_space<hbm>> -> memref<100000x128xf32, #tpu.memory_space<hbm>>
          tpu.wait_indirect_dma semaphore(%arg28 : memref<!tpu.dma_semaphore, #tpu.memory_space<semaphore_mem>>) src(%arg14 : memref<128x128xf32, #tpu.memory_space<vmem>>) dst(%dma_wait3A_152 : memref<100000x128xf32, #tpu.memory_space<hbm>>)
        } else {
        }
        %add3A_141 = arith.constant 4 : i32
        %add3A_142 = arith.addi %add3A_122, %add3A_141 : i32
        %lt3A_143 = arith.cmpi slt, %add3A_142, %select_n3A : i32
        %convert_element_type3A_144 = arith.extui %lt3A_143 : i1 to i32
        %cond3A_145 = arith.constant 0 : i32
        %cond3A_146 = arith.cmpi ne, %convert_element_type3A_144, %cond3A_145 : i32
        scf.if %cond3A_146 {
          %add3A_150 = arith.constant 4 : i32
          %add3A_151 = arith.addi %add3A_122, %add3A_150 : i32
          %mul3A_152 = arith.constant 32 : i32
          %mul3A_153 = arith.muli %add3A_151, %mul3A_152 : i32
          %add3A_154 = arith.addi %add3A, %mul3A_153 : i32
          %mul3A_155 = arith.constant 128 : i32
          %mul3A_156 = arith.muli %add3A_154, %mul3A_155 : i32
          %dma_start3A_157 = tpu.memref_slice %arg3[%mul3A_156] : memref<100000xi32, #tpu.memory_space<hbm>> -> memref<128xi32, #tpu.memory_space<hbm>>
          %dma_start3A_158 = tpu.memref_slice %arg3[%mul3A_156] : memref<100000xi32, #tpu.memory_space<hbm>> -> memref<128xi32, #tpu.memory_space<hbm>>
          tpu.enqueue_dma source(%dma_start3A_158 : memref<128xi32, #tpu.memory_space<hbm>>) target(%arg8 : memref<128xi32, #tpu.memory_space<vmem>>) target_semaphore(%arg22 : memref<!tpu.dma_semaphore, #tpu.memory_space<semaphore_mem>>)
          %dma_start3A_159 = arith.constant 0 : i32
          %dma_start3A_160 = tpu.memref_slice %arg2[%mul3A_156, %dma_start3A_159] : memref<100000x128xf32, #tpu.memory_space<hbm>> -> memref<128x128xf32, #tpu.memory_space<hbm>>
          %dma_start3A_161 = arith.constant 0 : i32
          %dma_start3A_162 = tpu.memref_slice %arg2[%mul3A_156, %dma_start3A_161] : memref<100000x128xf32, #tpu.memory_space<hbm>> -> memref<128x128xf32, #tpu.memory_space<hbm>>
          tpu.enqueue_dma source(%dma_start3A_162 : memref<128x128xf32, #tpu.memory_space<hbm>>) target(%arg14 : memref<128x128xf32, #tpu.memory_space<vmem>>) target_semaphore(%arg22 : memref<!tpu.dma_semaphore, #tpu.memory_space<semaphore_mem>>)
        } else {
        }
        %dma_start3A_147 = arith.constant 0 : i32
        %dma_start3A_148 = arith.constant 0 : i32
        %dma_start3A_149 = tpu.memref_slice %arg4[%dma_start3A_147, %dma_start3A_148] : memref<100000x128xf32, #tpu.memory_space<hbm>> -> memref<100000x128xf32, #tpu.memory_space<hbm>>
        tpu.enqueue_indirect_dma source(%arg16 : memref<128x128xf32, #tpu.memory_space<vmem>>) target(%dma_start3A_149 : memref<100000x128xf32, #tpu.memory_space<hbm>>) offsets(%arg10 : memref<128xi32, #tpu.memory_space<vmem>>) semaphore(%arg30 : memref<!tpu.dma_semaphore, #tpu.memory_space<semaphore_mem>>)
      } else {
      }
    }
    %scan3A_66 = arith.constant 5 : i32
    %eq3A = arith.constant 25 : i32
    %eq3A_67 = arith.cmpi eq, %select_n3A, %eq3A : i32
    %convert_element_type3A = arith.extui %eq3A_67 : i1 to i32
    %cond3A = arith.constant 0 : i32
    %cond3A_68 = arith.cmpi ne, %convert_element_type3A, %cond3A : i32
    scf.if %cond3A_68 {
      %dma_wait3A = arith.constant 0 : i32
      %dma_wait3A_79 = arith.constant 0 : i32
      %dma_wait3A_80 = tpu.memref_slice %arg4[%dma_wait3A, %dma_wait3A_79] : memref<100000x128xf32, #tpu.memory_space<hbm>> -> memref<100000x128xf32, #tpu.memory_space<hbm>>
      tpu.wait_indirect_dma semaphore(%arg30 : memref<!tpu.dma_semaphore, #tpu.memory_space<semaphore_mem>>) src(%arg16 : memref<128x128xf32, #tpu.memory_space<vmem>>) dst(%dma_wait3A_80 : memref<100000x128xf32, #tpu.memory_space<hbm>>)
      %dma_wait3A_81 = arith.constant 0 : i32
      %dma_wait3A_82 = arith.constant 0 : i32
      %dma_wait3A_83 = tpu.memref_slice %arg4[%dma_wait3A_81, %dma_wait3A_82] : memref<100000x128xf32, #tpu.memory_space<hbm>> -> memref<100000x128xf32, #tpu.memory_space<hbm>>
      tpu.wait_indirect_dma semaphore(%arg25 : memref<!tpu.dma_semaphore, #tpu.memory_space<semaphore_mem>>) src(%arg11 : memref<128x128xf32, #tpu.memory_space<vmem>>) dst(%dma_wait3A_83 : memref<100000x128xf32, #tpu.memory_space<hbm>>)
    } else {
    }
    %eq3A_69 = arith.constant 24 : i32
    %eq3A_70 = arith.cmpi eq, %select_n3A, %eq3A_69 : i32
    %convert_element_type3A_71 = arith.extui %eq3A_70 : i1 to i32
    %cond3A_72 = arith.constant 0 : i32
    %cond3A_73 = arith.cmpi ne, %convert_element_type3A_71, %cond3A_72 : i32
    scf.if %cond3A_73 {
      %dma_wait3A = arith.constant 0 : i32
      %dma_wait3A_79 = arith.constant 0 : i32
      %dma_wait3A_80 = tpu.memref_slice %arg4[%dma_wait3A, %dma_wait3A_79] : memref<100000x128xf32, #tpu.memory_space<hbm>> -> memref<100000x128xf32, #tpu.memory_space<hbm>>
      tpu.wait_indirect_dma semaphore(%arg29 : memref<!tpu.dma_semaphore, #tpu.memory_space<semaphore_mem>>) src(%arg15 : memref<128x128xf32, #tpu.memory_space<vmem>>) dst(%dma_wait3A_80 : memref<100000x128xf32, #tpu.memory_space<hbm>>)
      %dma_wait3A_81 = arith.constant 0 : i32
      %dma_wait3A_82 = arith.constant 0 : i32
      %dma_wait3A_83 = tpu.memref_slice %arg4[%dma_wait3A_81, %dma_wait3A_82] : memref<100000x128xf32, #tpu.memory_space<hbm>> -> memref<100000x128xf32, #tpu.memory_space<hbm>>
      tpu.wait_indirect_dma semaphore(%arg30 : memref<!tpu.dma_semaphore, #tpu.memory_space<semaphore_mem>>) src(%arg16 : memref<128x128xf32, #tpu.memory_space<vmem>>) dst(%dma_wait3A_83 : memref<100000x128xf32, #tpu.memory_space<hbm>>)
    } else {
    }
    %eq3A_74 = arith.constant 13 : i32
    %eq3A_75 = arith.cmpi eq, %add3A, %eq3A_74 : i32
    %convert_element_type3A_76 = arith.extui %eq3A_75 : i1 to i32
    %cond3A_77 = arith.constant 0 : i32
    %cond3A_78 = arith.cmpi ne, %convert_element_type3A_76, %cond3A_77 : i32
    scf.if %cond3A_78 {
      "tpu.region"() ({
        %run_scoped3A = tpu.sem_alloc : memref<!tpu.dma_semaphore, #tpu.memory_space<semaphore_mem>>
        %dma_start3A_84 = arith.constant 99968 : i32
        %dma_start3A_85 = tpu.memref_slice %arg3[%dma_start3A_84] : memref<100000xi32, #tpu.memory_space<hbm>> -> memref<32xi32, #tpu.memory_space<hbm>>
        %dma_start3A_86 = arith.constant 99968 : i32
        %dma_start3A_87 = tpu.memref_slice %arg3[%dma_start3A_86] : memref<100000xi32, #tpu.memory_space<hbm>> -> memref<32xi32, #tpu.memory_space<hbm>>
        tpu.enqueue_dma source(%dma_start3A_87 : memref<32xi32, #tpu.memory_space<hbm>>) target(%arg17 : memref<32xi32, #tpu.memory_space<vmem>>) target_semaphore(%run_scoped3A : memref<!tpu.dma_semaphore, #tpu.memory_space<semaphore_mem>>)
        %dma_wait3A_88 = arith.constant 99968 : i32
        %dma_wait3A_89 = tpu.memref_slice %arg3[%dma_wait3A_88] : memref<100000xi32, #tpu.memory_space<hbm>> -> memref<32xi32, #tpu.memory_space<hbm>>
        %dma_wait3A_90 = arith.constant 99968 : i32
        %dma_wait3A_91 = tpu.memref_slice %arg3[%dma_wait3A_90] : memref<100000xi32, #tpu.memory_space<hbm>> -> memref<32xi32, #tpu.memory_space<hbm>>
        tpu.wait_dma2 semaphore(%run_scoped3A : memref<!tpu.dma_semaphore, #tpu.memory_space<semaphore_mem>>) src(%dma_wait3A_91 : memref<32xi32, #tpu.memory_space<hbm>>) dst(%arg17 : memref<32xi32, #tpu.memory_space<vmem>>)
        tpu.yield
      }) : () -> ()
      "tpu.region"() ({
        %run_scoped3A = tpu.sem_alloc : memref<!tpu.dma_semaphore, #tpu.memory_space<semaphore_mem>>
        %dma_start3A_84 = arith.constant 99968 : i32
        %dma_start3A_85 = arith.constant 0 : i32
        %dma_start3A_86 = tpu.memref_slice %arg2[%dma_start3A_84, %dma_start3A_85] : memref<100000x128xf32, #tpu.memory_space<hbm>> -> memref<32x128xf32, #tpu.memory_space<hbm>>
        %dma_start3A_87 = arith.constant 99968 : i32
        %dma_start3A_88 = arith.constant 0 : i32
        %dma_start3A_89 = tpu.memref_slice %arg2[%dma_start3A_87, %dma_start3A_88] : memref<100000x128xf32, #tpu.memory_space<hbm>> -> memref<32x128xf32, #tpu.memory_space<hbm>>
        tpu.enqueue_dma source(%dma_start3A_89 : memref<32x128xf32, #tpu.memory_space<hbm>>) target(%arg18 : memref<32x128xf32, #tpu.memory_space<vmem>>) target_semaphore(%run_scoped3A : memref<!tpu.dma_semaphore, #tpu.memory_space<semaphore_mem>>)
        %dma_wait3A_90 = arith.constant 99968 : i32
        %dma_wait3A_91 = arith.constant 0 : i32
        %dma_wait3A_92 = tpu.memref_slice %arg2[%dma_wait3A_90, %dma_wait3A_91] : memref<100000x128xf32, #tpu.memory_space<hbm>> -> memref<32x128xf32, #tpu.memory_space<hbm>>
        %dma_wait3A_93 = arith.constant 99968 : i32
        %dma_wait3A_94 = arith.constant 0 : i32
        %dma_wait3A_95 = tpu.memref_slice %arg2[%dma_wait3A_93, %dma_wait3A_94] : memref<100000x128xf32, #tpu.memory_space<hbm>> -> memref<32x128xf32, #tpu.memory_space<hbm>>
        tpu.wait_dma2 semaphore(%run_scoped3A : memref<!tpu.dma_semaphore, #tpu.memory_space<semaphore_mem>>) src(%dma_wait3A_95 : memref<32x128xf32, #tpu.memory_space<hbm>>) dst(%arg18 : memref<32x128xf32, #tpu.memory_space<vmem>>)
        tpu.yield
      }) : () -> ()
      %dma_start3A_79 = arith.constant 0 : i32
      %dma_start3A_80 = arith.constant 0 : i32
      %dma_start3A_81 = tpu.memref_slice %arg4[%dma_start3A_79, %dma_start3A_80] : memref<100000x128xf32, #tpu.memory_space<hbm>> -> memref<100000x128xf32, #tpu.memory_space<hbm>>
      tpu.enqueue_indirect_dma source(%arg18 : memref<32x128xf32, #tpu.memory_space<vmem>>) target(%dma_start3A_81 : memref<100000x128xf32, #tpu.memory_space<hbm>>) offsets(%arg17 : memref<32xi32, #tpu.memory_space<vmem>>) semaphore(%arg19 : memref<!tpu.dma_semaphore, #tpu.memory_space<semaphore_mem>>)
      %dma_wait3A = arith.constant 0 : i32
      %dma_wait3A_82 = arith.constant 0 : i32
      %dma_wait3A_83 = tpu.memref_slice %arg4[%dma_wait3A, %dma_wait3A_82] : memref<100000x128xf32, #tpu.memory_space<hbm>> -> memref<100000x128xf32, #tpu.memory_space<hbm>>
      tpu.wait_indirect_dma semaphore(%arg19 : memref<!tpu.dma_semaphore, #tpu.memory_space<semaphore_mem>>) src(%arg18 : memref<32x128xf32, #tpu.memory_space<vmem>>) dst(%dma_wait3A_83 : memref<100000x128xf32, #tpu.memory_space<hbm>>)
    } else {
    }
    return
  }
}

</mosaic_0001>

<sc_bundles>
// kernel: kernel.3.cloned.1.call-start
scs
__scs_entry_jumppad:
0x0: {  	(pc) =	sbr.rel $0x88, $3  }
0x1: {  	(tag) =	ssettag $0x0;
	lr =	simm.s32 $0x1  }
0x2: {  	[smem:$0x3F9F] =	sst lr;
	_ =	strace $0xD0000000  }
0x3: {  	_ = 	snop  }
0x4: {  	_ = 	snop  }
0x5: {  	_ = 	snop  }
0x6: {  	_ = 	snop  }
0x7: {  	_ = 	snop  }
__scs_overlays_trampoline_lowered:
0x8: {  	[smem:$0x3FAE] =	sst s0  }
0x9: {  	[smem:$0x3FAF] =	sst s1  }
0xa: {  	[smem:$0x3FB0] =	sst s2  }
0xb: {  	[smem:$0x3FB1] =	sst s3  }
0xc: {  	[smem:$0x3FB2] =	sst s4  }
0xd: {  	[smem:$0x3FB3] =	sst s5  }
0xe: {  	[smem:$0x3FB4] =	sst s6  }
0xf: {  	[smem:$0x3FB5] =	sst s7  }
0x10: {  	[smem:$0x3FB6] =	sst s8  }
0x11: {  	[smem:$0x3FB7] =	sst s9;
	s0 =	simm.s32 @!p0 $0x0  }
0x12: {  	s1 =	sld [smem:$0x3F9D];
	s0 =	simm.s32 @p0 $0x1  }
0x13: {  	[smem:$0x3FB8] =	sst s0;
	s0 =	simm.s32 @!p1 $0x0  }
0x14: {  	s2 =	sld [smem:$0x3F9C];
	s0 =	simm.s32 @p1 $0x1  }
0x15: {  	[smem:$0x3FB9] =	sst s0;
	s0 =	simm.s32 @!p2 $0x0  }
0x16: {  	s3 =	sld [smem:$0x3FDB];
	s0 =	simm.s32 @p2 $0x1  }
0x17: {  	s4 =	simm.s32 $0x1BF5;
	[smem:$0x3FBB] =	sst s0  }
0x18: {  	s0 =	sld [smem:$0x3F9E];
	_ =	swait.ge [sflag:s4], $0x0  }
0x19: {  	s7 =	sld [smem:$0x3F9F]  }
0x1a: {  	s8 =	sadd.s32 $0xFFFFE003, lr  }
0x1b: {  	s9 =	sadd.s32 $0xFFFFFEF7, lr;
	s5 =	simm.s32 $0xFFFFFFFF;
	p2 =	slt.u32 s8, $0xFFFFF086  }
0x1c: {  	p1 =	slt.u32 s9, $0xF7A;
	s5 =	simm.s32 @!p2 $0x0  }
0x1d: {  	s5 =	simm.s32 @p1 $0x1;
	p0 =	seq.s32 s7, s2  }
0x1e: {  	s7 =	smul.u32 @!p0 $0xF7A, s2;
	p2 =	seq.s32 @!p0 s5, $0x0  }
0x1f: {  	s9 =	smul.u32 $0xF7A, s1;
	s8 =	simm.s32 @!p0 $0x1BF5;
	p2 =	por !p2, p0  }
0x20: {  	[sflag:s8] =	ssyncset.s32 @!p0 $0xFFFFF086;
	s6 =	sadd.s32 @!p0 s3, s7;
	s7 =	simm.s32 @!p0 $0x108  }
0x21: {  	s3 =	sadd.s32 s3, s9;
	s6 =	sadd.s32 @!p0 $0x88, s6;
	s7 =	simm.s32 @p2 $0x1082  }
0x22: {  	[simem:s7], [sflag:s8] =	dma.local @!p0 [hbm:s6], $0xF7A  }
0x23: {  	s9 =	sor.u32 $0xD0000000, s2;
	s6 =	simm.s32 $0x108;
	_ =	swait.ge @!p0 [sflag:s8], $0x0  }
0x24: {  	s3 =	sadd.s32 $0x88, s3;
	s6 =	simm.s32 @!p1 $0x1082;
	[sflag:s4] =	ssyncset.s32 $0xFFFFF086  }
0x25: {  	[simem:s6], [sflag:s4] =	dma.local [hbm:s3], $0xF7A  }
0x26: {  	[smem:$0x3F9F] =	sst s1;
	(tag) =	ssettag s2;
	_ =	strace s9  }
0x27: {  	s1 =	sld [smem:$0x3FAF]  }
0x28: {  	s2 =	sld [smem:$0x3FB0]  }
0x29: {  	s4 =	sld [smem:$0x3FB2]  }
0x2a: {  	p0 =	seq.s32 s5, $0x0;
	s5 =	sld [smem:$0x3FB3]  }
0x2b: {  	s6 =	sld [smem:$0x3FB4]  }
0x2c: {  	s7 =	sld [smem:$0x3FB5]  }
0x2d: {  	s3 =	simm.s32 $0x108;
	s8 =	sld [smem:$0x3FB6]  }
0x2e: {  	s3 =	simm.s32 @!p0 $0x1082;
	s9 =	sld [smem:$0x3FB7]  }
0x2f: {  	lr =	sadd.s32 s0, s3;
	s0 =	sld [smem:$0x3FAE]  }
0x30: {  	s3 =	sld [smem:$0x3FB1]  }
0x31: {  	[smem:$0x3FBA] =	sst s10  }
0x32: {  	s10 =	sld [smem:$0x3FB8];
	_ =	sdelay $0x3  }
0x33: {  	p0 =	seq.s32 s10, $0x1;
	s10 =	sld [smem:$0x3FBA];
	_ =	sdelay $0x3  }
0x34: {  	[smem:$0x3FBA] =	sst s10  }
0x35: {  	s10 =	sld [smem:$0x3FB9];
	_ =	sdelay $0x3  }
0x36: {  	p1 =	seq.s32 s10, $0x1;
	s10 =	sld [smem:$0x3FBA];
	_ =	sdelay $0x3  }
0x37: {  	[smem:$0x3FBA] =	sst s10  }
0x38: {  	s10 =	sld [smem:$0x3FBB]  }
0x39: {  	_ = 	snop;
	(pc) =	sbr.ind lr, $3  }
0x3a: {  	_ = 	snop  }
0x3b: {  	_ = 	snop  }
0x3c: {  	p2 =	seq.s32 s10, $0x1;
	s10 =	sld [smem:$0x3FBA]  }
0x3d: {  	_ =	shalt  }
0x3e: {  	_ =	shalt  }
0x3f: {  	_ =	shalt  }
0x40: {  	_ =	shalt  }
0x41: {  	_ =	shalt  }
0x42: {  	_ =	shalt  }
0x43: {  	_ =	shalt  }
0x44: {  	_ =	shalt  }
0x45: {  	_ =	shalt  }
0x46: {  	_ =	shalt  }
0x47: {  	_ =	shalt  }
0x48: {  	_ =	shalt  }
0x49: {  	_ =	shalt  }
0x4a: {  	_ =	shalt  }
0x4b: {  	_ =	shalt  }
0x4c: {  	_ =	shalt  }
0x4d: {  	_ =	shalt  }
0x4e: {  	_ =	shalt  }
0x4f: {  	_ =	shalt  }
0x50: {  	_ =	shalt  }
0x51: {  	_ =	shalt  }
0x52: {  	_ =	shalt  }
0x53: {  	_ =	shalt  }
0x54: {  	_ =	shalt  }
0x55: {  	_ =	shalt  }
0x56: {  	_ =	shalt  }
0x57: {  	_ =	shalt  }
0x58: {  	_ =	shalt  }
0x59: {  	_ =	shalt  }
0x5a: {  	_ =	shalt  }
0x5b: {  	_ =	shalt  }
0x5c: {  	_ =	shalt  }
0x5d: {  	_ =	shalt  }
0x5e: {  	_ =	shalt  }
0x5f: {  	_ =	shalt  }
0x60: {  	_ =	shalt  }
0x61: {  	_ =	shalt  }
0x62: {  	_ =	shalt  }
0x63: {  	_ =	shalt  }
0x64: {  	_ =	shalt  }
0x65: {  	_ =	shalt  }
0x66: {  	_ =	shalt  }
0x67: {  	_ =	shalt  }
0x68: {  	_ =	shalt  }
0x69: {  	_ =	shalt  }
0x6a: {  	_ =	shalt  }
0x6b: {  	_ =	shalt  }
0x6c: {  	_ =	shalt  }
0x6d: {  	_ =	shalt  }
0x6e: {  	_ =	shalt  }
0x6f: {  	_ =	shalt  }
0x70: {  	_ =	shalt  }
0x71: {  	_ =	shalt  }
0x72: {  	_ =	shalt  }
0x73: {  	_ =	shalt  }
0x74: {  	_ =	shalt  }
0x75: {  	_ =	shalt  }
0x76: {  	_ =	shalt  }
0x77: {  	_ =	shalt  }
0x78: {  	_ =	shalt  }
0x79: {  	_ =	shalt  }
0x7a: {  	_ =	shalt  }
0x7b: {  	_ =	shalt  }
0x7c: {  	_ =	shalt  }
0x7d: {  	_ =	shalt  }
0x7e: {  	_ =	shalt  }
0x7f: {  	_ =	shalt  }
0x80: {  	_ =	shalt  }
0x81: {  	_ =	shalt  }
0x82: {  	_ =	shalt  }
0x83: {  	_ =	shalt  }
0x84: {  	_ =	shalt  }
0x85: {  	_ =	shalt  }
0x86: {  	_ =	shalt  }
0x87: {  	_ =	shalt  }
.Lfunc_end0:
.L_simem_size_0:
called_computation_lowered:
.L_overlay_start_0:
0x88: {  	s2 =	sld [smem:$0x3FD9]  }
0x89: {  	s3 =	sld [smem:$0x3FFE];
	_ =	sdelay $0x1  }
0x8a: {  	s1 =	srdreg.scid  }
0x8b: {  	s0 =	sand.u32 $0x1, s1  }
0x8c: {  	s18 =	sshll.u32 s0, $0xA;
	s2 =	sadd.s32 s3, s2  }
0x8d: {  	s2 =	sadd.s32 s2, s18  }
0x8e: {  	[smem:$0x3FC6] =	sst s2  }
0x8f: {  	_ = 	snop  }
0x90: {  	s2 =	sld [smem:$0x3FC9]  }
0x91: {  	s19 =	sld [smem:$0x3FC8]  }
0x92: {  	s4 =	sld [smem:$0x3FD0];
	(tm) =	ssettm $0x1  }
0x93: {  	s5 =	sld [smem:$0x3FFB];
	_ =	sdelay $0x3  }
0x94: {  	_ =	strace s5  }
0x95: {  	s5 =	sld [smem:$0x3FFC];
	_ =	sdelay $0x3  }
0x96: {  	_ =	strace s5  }
0x97: {  	s5 =	sld [smem:$0x3FFD];
	_ =	sdelay $0x3  }
0x98: {  	_ =	strace s5  }
0x99: {  	_ =	strace $0x8FFFFFFF  }
0x9a: {  	s20 =	sld [smem:$0x3FDB];
	_ =	sdelay $0x1  }
0x9b: {  	s6 =	simm.s32 $_scs_section_size  }
0x9c: {  	s7 =	simm.s32 $_size__tile_overlayer_lowered;
	s8 =	simm.s32 $_tile_overlayer_lowered  }
0x9d: {  	s23 =	simm.s32 $0x1BFF;
	s22 =	sshll.u32 s8, $0x1;
	s5 =	sadd.s32 s6, s20  }
0x9e: {  	s9 =	simm.s32 $0x0;
	s21 =	sshll.u32 s7, $0x1;
	s7 =	sadd.s32 s22, s5  }
0x9f: {  	[timem:s9], [sflag:s23] =	dma.local [hbm:s7], s21  }
0xa0: {  	_ =	swait.ge [sflag:s23], s21  }
0xa1: {  	s6 =	ssub.s32 $0x0, s21;
	[sflag:s23] =	ssyncset.done $0x0  }
0xa2: {  	[sflag:s23] =	ssyncadd.s32 s6;
	_ =	sdelay $0x1  }
0xa3: {  	s24 =	simm.s32 $0x1B8B  }
0xa4: {  	_ =	swait.ge [sflag:s24], $0x1  }
0xa5: {  	[sflag:s24] =	ssyncset.done $0x0  }
0xa6: {  	s25 =	simm.s32 $0x1B8E;
	[sflag:s24] =	ssyncadd.s32 $0xFFFFFFFF  }
0xa7: {  	s26 =	simm.s32 $execute0_lowered;
	[smem:$0x3FD2] =	sst s25  }
0xa8: {  	s6 =	sshll.u32 s26, $0x1;
	_ =	strace $0x80000046;
	[dreg:$0x1] =	wrdreg $0xFFFFFFFF  }
0xa9: {  	s28 =	simm.s32 $_size_execute0_lowered;
	s5 =	sadd.s32 s5, s6;
	[dreg:$0x0] =	wrdreg $0x0  }
0xaa: {  	s6 =	sshll.u32 s28, $0x1;
	[dreg:$0x2] =	wrdreg s5  }
0xab: {  	[dreg:$0x3] =	wrdreg s6  }
0xac: {  	[dreg:$0x4] =	wrdreg $0xC0  }
0xad: {  	_ =	task [dreg:s9], $0x5FFFF  }
0xae: {  	[dreg:$0x1] =	wrdreg $0xFFFFFFFF  }
0xaf: {  	[dreg:$0x0] =	wrdreg $0x60  }
0xb0: {  	[dreg:$0x2] =	wrdreg s2  }
0xb1: {  	[dreg:$0x3] =	wrdreg s19  }
0xb2: {  	[dreg:$0x4] =	wrdreg s4  }
0xb3: {  	[dreg:$0x5] =	wrdreg $0x9  }
0xb4: {  	_ =	task.clear_ibuf [dreg:s9], $0x6FFFF;
	_ =	strace $0x90000046  }
0xb5: {  	s29 =	simm.s32 $0x9;
	_ =	strace $0x80000048  }
0xb6: {  	_ =	swait.ge [sflag:s29], $0x1  }
0xb7: {  	[sflag:s29] =	ssyncadd.s32 $0xFFFFFFFF  }
0xb8: {  	_ =	strace $0x90000048  }
0xb9: {  	_ =	sfence  }
0xba: {  	s30 =	sld [smem:$0x0];
	_ =	sdelay $0x2  }
0xbb: {  	s31 =	sshll.u32 s1, $0xD;
	s1 =	sshrl.u32 s1, $0x2  }
0xbc: {  	s3 =	sand.u32 $0x4000, s31;
	s1 =	sadd.s32 s1, s30  }
0xbd: {  	s0 =	sor.u32 s3, s0;
	s1 =	sshll.u32 s1, $0x11  }
0xbe: {  	s0 =	sor.u32 s1, s0  }
0xbf: {  	s0 =	sadd.s32 $0x8F2B, s0  }
0xc0: {  	[sflag:s0] =	ssyncadd.remote.s32 $0x1  }
0xc1: {  	_ =	sfence.sel $0xFFFF  }
0xc2: {  	[dreg:$0x0] =	wrdreg $0xFFFFFFFF;
	(pc) =	sbr.abs _section_cstart, $3  }
0xc3: {  	[dreg:$0x1] =	wrdreg $0xFFFFFFFF  }
0xc4: {  	_ =	task.clear_ibuf [dreg:s9], $0x2FFFF;
	_ =	strace $0x9FFFFFFF  }
0xc5: {  	(tm) =	ssettm $0x7FFFFFFF  }
tec
execute0_lowered:
.L_overlay_start_1:
0x0: {  	(tag) =	ssettag $0x1  }
0x1: {  	s0 =	rddreg [dreg:$0x0]  }
0x2: {  	s2 =	rddreg [dreg:$0x1]  }
0x3: {  	s3 =	rddreg [dreg:$0x2]  }
0x4: {  	s1 =	srdreg.scid;
	s12 =	stileid.u32;
	s4 =	simm.s32 $0x0  }
0x5: {  	s1 =	sand.u32 $0x1, s1;
	s6 =	sshll.u32 s12, $0x1;
	[smem:$0x7FF] =	sst s4  }
0x6: {  	s17 =	sadd.s32 $0x30D0, s2;
	s18 =	sadd.s32 $0x186800, s0;
	s19 =	sshll.u32 s12, $0xC  }
0x7: {  	s21 =	sshll.u32 s12, $0x8;
	_ =	strace $0x80000047;
	[dreg:$0x11] =	wrdreg s17  }
0x8: {  	s5 =	ssub.s32 $0x2, s1;
	s6 =	sor.u32 s1, s6;
	[dreg:$0x12] =	wrdreg s18  }
0x9: {  	s20 =	sshll.u32 s1, $0xB;
	s1 =	sshll.u32 s1, $0x7;
	s18 =	simm.s32 $0x7  }
0xa: {  	s7 =	sshrl.u32 s5, $0x1;
	s23 =	ssub.s32 $0x32C, s6;
	s8 =	sshll.u32 s6, $0x4  }
0xb: {  	s9 =	sshll.u32 s6, $0x7;
	s24 =	sshll.u32 s6, $0xB;
	s1 =	sor.u32 s1, s21  }
0xc: {  	s7 =	ssub.s32 s5, s7;
	s5 =	sshrl.u32 s23, $0x5;
	s8 =	sadd.s32 s2, s8  }
0xd: {  	s10 =	sor.u32 $0x1000, s9;
	s11 =	sor.u32 $0x2000, s9;
	s31 =	sor.u32 $0x3000, s9  }
0xe: {  	s22 =	sor.u32 $0x9000, s1;
	s23 =	sor.u32 $0x8000, s1;
	[dreg:$0x9] =	wrdreg s8  }
0xf: {  	s8 =	sadd.s32 s0, s24;
	s25 =	sshrl.u32 s10, $0x3;
	s26 =	sshll.u32 s10, $0x4  }
0x10: {  	s28 =	sshrl.u32 s11, $0x3;
	s10 =	sadd.s32 $0xFFFFFFFF, s5;
	[dreg:$0xa] =	wrdreg s8  }
0x11: {  	s30 =	sshll.u32 s11, $0x4;
	s13 =	sadd.s32 $0xFFFFFFFE, s5;
	[dreg:$0x4] =	wrdreg s10  }
0x12: {  	s11 =	sshrl.u32 s31, $0x3;
	s14 =	sadd.s32 $0xFFFFFFFD, s5;
	[dreg:$0x5] =	wrdreg s13  }
0x13: {  	s15 =	sadd.s32 $0xFFFFFFFC, s5;
	s16 =	sadd.s32 $0xFFFFFFFB, s5;
	[dreg:$0x6] =	wrdreg s14  }
0x14: {  	p0 =	seq.s32 s5, $0x19;
	s7 =	smax.u32 s7, $0x1;
	[dreg:$0x7] =	wrdreg s15  }
0x15: {  	s24 =	sor.u32 $0x7000, s1;
	s8 =	sadd.s32 s2, s25;
	[dreg:$0x8] =	wrdreg s16  }
0x16: {  	s29 =	sadd.s32 s2, s28;
	s10 =	sadd.s32 s2, s11;
	[dreg:$0x13] =	wrdreg s7  }
0x17: {  	s16 =	simm.s32 $0xC;
	s18 =	simm.s32 @!p0 $0xC;
	[dreg:$0xb] =	wrdreg s8  }
0x18: {  	s25 =	sshrl.u32 s23, $0x3;
	s23 =	sor.u32 $0x6000, s1;
	[dreg:$0xd] =	wrdreg s29  }
0x19: {  	s8 =	sadd.s32 s0, s26;
	[dreg:$0xf] =	wrdreg s10;
	s16 =	simm.s32 @!p0 $0xB  }
0x1a: {  	s26 =	sshrl.u32 s24, $0x3;
	[dreg:$0xc] =	wrdreg s8;
	s8 =	sadd.s32 s0, s30  }
0x1b: {  	s29 =	sor.u32 $0x5000, s1;
	[dreg:$0xe] =	wrdreg s8;
	s8 =	sshll.u32 s31, $0x4  }
0x1c: {  	p0 =	sne.s32 s6, $0xD;
	s8 =	sadd.s32 s0, s8;
	s0 =	sadd.s32 s19, s0  }
0x1d: {  	s28 =	sadd.s32 s26, s2;
	s30 =	sor.u32 $0x4000, s1;
	s0 =	sadd.s32 s20, s0  }
0x1e: {  	[dreg:$0x10] =	wrdreg s8;
	s8 =	sadd.s32 $0x90000, s0;
	s0 =	sshrl.u32 s22, $0x3  }
0x1f: {  	s26 =	simm.s32 $0x0;
	s9 =	sadd.s32 s0, s2;
	s0 =	sadd.s32 s25, s2  }
0x20: {  	s31 =	sshrl.u32 s30, $0x3;
	[dreg:$0x14] =	wrdreg s0;
	s0 =	sshrl.u32 s29, $0x3  }
0x21: {  	[dreg:$0x15] =	wrdreg s28;
	s25 =	sadd.s32 s31, s2;
	s24 =	sadd.s32 s0, s2  }
.LBB2_1:
0x22: {  	s0 =	rddreg [dreg:$0x9]  }
0x23: {  	[tilespmem:s4], [sflag:$0x1] =	stream.linear.gather [hbm4b:s0+s4], $0x80, $0x38;
	[tilespmem:$0x19380] =	vst v63  }
0x24: {  	s20 =	rddreg [dreg:$0xa];
	s1 =	simm.s32 $0x300  }
0x25: {  	[tilespmem:s1], [sflag:$0x1] =	stream.linear.gather [hbm4b:s20+s4], $0x4000, $0x38;
	[tilespmem:$0x19380] =	vst v63  }
0x26: {  	s21 =	rddreg [dreg:$0xb];
	s22 =	simm.s32 $0x80  }
0x27: {  	[tilespmem:s22], [sflag:$0x2] =	stream.linear.gather [hbm4b:s21+s4], $0x80, $0x38;
	[tilespmem:$0x19380] =	vst v63  }
0x28: {  	s6 =	simm.s32 $0x4300;
	s1 =	rddreg [dreg:$0xc]  }
0x29: {  	[tilespmem:s6], [sflag:$0x2] =	stream.linear.gather [hbm4b:s1+s4], $0x4000, $0x38;
	[tilespmem:$0x19380] =	vst v63  }
0x2a: {  	s7 =	rddreg [dreg:$0xd];
	s10 =	simm.s32 $0x100  }
0x2b: {  	[tilespmem:s10], [sflag:$0x3] =	stream.linear.gather [hbm4b:s7+s4], $0x80, $0x38;
	[tilespmem:$0x19380] =	vst v63  }
0x2c: {  	s11 =	rddreg [dreg:$0xe];
	s12 =	simm.s32 $0x8300  }
0x2d: {  	[tilespmem:s12], [sflag:$0x3] =	stream.linear.gather [hbm4b:s11+s4], $0x4000, $0x38;
	[tilespmem:$0x19380] =	vst v63  }
0x2e: {  	s13 =	rddreg [dreg:$0xf];
	s14 =	simm.s32 $0x180;
	p2 =	sle.u32 s5, $0x0  }
0x2f: {  	[tilespmem:s14], [sflag:$0x4] =	stream.linear.gather [hbm4b:s13+s4], $0x80, $0x38;
	[tilespmem:$0x19380] =	vst v63  }
0x30: {  	s15 =	rddreg [dreg:$0x10];
	s17 =	simm.s32 $0xC300;
	s0 =	simm.s32 @!p2 $0x1  }
0x31: {  	[tilespmem:s17], [sflag:$0x4] =	stream.linear.gather [hbm4b:s15+s4], $0x4000, $0x38;
	[tilespmem:$0x19380] =	vst v63  }
0x32: {  	_ =	swait.ge @!p2 [sflag:s0], $0x80  }
0x33: {  	[sflag:s0] =	ssyncset.done @!p2 $0x0  }
0x34: {  	[sflag:s0] =	ssyncadd.s32 @!p2 $0xFFFFFF80  }
0x35: {  	p1 =	por @!p2 $0x1, $0x1;
	_ =	swait.ge @!p2 [sflag:s0], $0x4000  }
0x36: {  	p1 =	por p1, p2;
	[sflag:s0] =	ssyncset.done @!p2 $0x0  }
0x37: {  	p3 =	sle.u32 @!p2 s5, $0x4;
	s1 =	simm.s32 @!p1 $0xB;
	[sflag:s0] =	ssyncadd.s32 @!p2 $0xFFFFC000  }
0x38: {  	p3 =	por p3, p2;
	_ =	swait.ge @!p1 [sflag:s1], $0x4000  }
0x39: {  	s7 =	simm.s32 @!p3 $0x200;
	s10 =	simm.s32 @!p2 $0x300;
	[sflag:s1] =	ssyncset.done @!p1 $0x0  }
0x3a: {  	s0 =	simm.s32 @!p3 $0x0;
	s6 =	rddreg [dreg:$0x4];
	[sflag:s1] =	ssyncadd.s32 @!p1 $0xFFFFC000  }
0x3b: {  	[tilespmem:s7], [sflag:$0x5] =	stream.linear.gather @!p3 [hbm4b:s25+s0], $0x80, $0x38;
	[tilespmem:$0x19380] =	vst v63  }
0x3c: {  	s1 =	sadd.s32 @!p3 $0xFFFB0000, s8;
	p1 =	sle.u32 s6, $0x0;
	s7 =	simm.s32 @!p3 $0x10300  }
0x3d: {  	[tilespmem:s7], [sflag:$0x5] =	stream.linear.gather @!p3 [hbm4b:s1+s0], $0x4000, $0x38;
	[tilespmem:$0x19380] =	vst v63  }
0x3e: {  	s6 =	simm.s32 @!p1 $0x2;
	s0 =	simm.s32 @!p2 $0x80;
	s1 =	simm.s32 @!p2 $0x0  }
0x3f: {  	[hbm4b:s3+s0] =	stream.indirect.scatter @!p2 [tilespmem:s10], [sflag:$0x7], $0x80, s1, s0, $0xb8;
	[tilespmem:$0x19380] =	vst v63  }
0x40: {  	_ =	swait.ge @!p1 [sflag:s6], $0x80  }
0x41: {  	[sflag:s6] =	ssyncset.done @!p1 $0x0  }
0x42: {  	[sflag:s6] =	ssyncadd.s32 @!p1 $0xFFFFFF80  }
0x43: {  	p2 =	por @!p1 $0x1, $0x1;
	_ =	swait.ge @!p1 [sflag:s6], $0x4000  }
0x44: {  	p2 =	por p2, p1;
	[sflag:s6] =	ssyncset.done @!p1 $0x0  }
0x45: {  	p3 =	sle.u32 @!p1 s5, $0x5;
	s0 =	simm.s32 @!p2 $0xC;
	[sflag:s6] =	ssyncadd.s32 @!p1 $0xFFFFC000  }
0x46: {  	p3 =	por p3, p1;
	_ =	swait.ge @!p2 [sflag:s0], $0x4000  }
0x47: {  	s7 =	simm.s32 @!p3 $0x280;
	[sflag:s0] =	ssyncset.done @!p2 $0x0  }
0x48: {  	s6 =	simm.s32 @!p3 $0x0;
	s19 =	rddreg [dreg:$0x5];
	[sflag:s0] =	ssyncadd.s32 @!p2 $0xFFFFC000  }
0x49: {  	[tilespmem:s7], [sflag:$0x6] =	stream.linear.gather @!p3 [hbm4b:s24+s6], $0x80, $0x38;
	[tilespmem:$0x19380] =	vst v63  }
0x4a: {  	s0 =	sadd.s32 @!p3 $0xFFFC0000, s8;
	p2 =	sle.u32 s19, $0x0;
	s7 =	simm.s32 @!p3 $0x14300  }
0x4b: {  	[tilespmem:s7], [sflag:$0x6] =	stream.linear.gather @!p3 [hbm4b:s0+s6], $0x4000, $0x38;
	[tilespmem:$0x19380] =	vst v63  }
0x4c: {  	s1 =	simm.s32 @!p1 $0x80;
	s0 =	simm.s32 @!p2 $0x3;
	s6 =	simm.s32 @!p1 $0x4300  }
0x4d: {  	[hbm4b:s3+s1] =	stream.indirect.scatter @!p1 [tilespmem:s6], [sflag:$0x8], $0x80, s1, s1, $0xb8;
	[tilespmem:$0x19380] =	vst v63  }
0x4e: {  	_ =	swait.ge @!p2 [sflag:s0], $0x80  }
0x4f: {  	[sflag:s0] =	ssyncset.done @!p2 $0x0  }
0x50: {  	[sflag:s0] =	ssyncadd.s32 @!p2 $0xFFFFFF80  }
0x51: {  	_ =	swait.ge @!p2 [sflag:s0], $0x4000  }
0x52: {  	[sflag:s0] =	ssyncset.done @!p2 $0x0  }
0x53: {  	p1 =	sle.u32 @!p2 s5, $0x6;
	s1 =	simm.s32 @!p2 $0x7;
	[sflag:s0] =	ssyncadd.s32 @!p2 $0xFFFFC000  }
0x54: {  	p1 =	por p1, p2;
	_ =	swait.ge @!p2 [sflag:s1], $0x4000  }
0x55: {  	s10 =	simm.s32 @!p2 $0x8300;
	s0 =	sshrl.u32 @!p1 s23, $0x3;
	[sflag:s1] =	ssyncset.done @!p2 $0x0  }
0x56: {  	s6 =	simm.s32 @!p1 $0x0;
	s0 =	sadd.s32 @!p1 s2, s0;
	[sflag:s1] =	ssyncadd.s32 @!p2 $0xFFFFC000  }
0x57: {  	[tilespmem:s6], [sflag:$0x1] =	stream.linear.gather @!p1 [hbm4b:s0+s6], $0x80, $0x38;
	[tilespmem:$0x19380] =	vst v63  }
0x58: {  	s20 =	rddreg [dreg:$0x6];
	s1 =	simm.s32 @!p1 $0x300;
	s0 =	sadd.s32 @!p1 $0xFFFD0000, s8  }
0x59: {  	[tilespmem:s1], [sflag:$0x1] =	stream.linear.gather @!p1 [hbm4b:s0+s6], $0x4000, $0x38;
	[tilespmem:$0x19380] =	vst v63  }
0x5a: {  	p3 =	sle.u32 s20, $0x0;
	s0 =	simm.s32 @!p2 $0x80;
	s1 =	simm.s32 @!p2 $0x100  }
0x5b: {  	[hbm4b:s3+s0] =	stream.indirect.scatter @!p2 [tilespmem:s10], [sflag:$0x9], $0x80, s1, s0, $0xb8;
	[tilespmem:$0x19380] =	vst v63  }
0x5c: {  	s0 =	simm.s32 @!p3 $0x4  }
0x5d: {  	_ =	swait.ge @!p3 [sflag:s0], $0x80  }
0x5e: {  	[sflag:s0] =	ssyncset.done @!p3 $0x0  }
0x5f: {  	[sflag:s0] =	ssyncadd.s32 @!p3 $0xFFFFFF80  }
0x60: {  	_ =	swait.ge @!p3 [sflag:s0], $0x4000  }
0x61: {  	[sflag:s0] =	ssyncset.done @!p3 $0x0  }
0x62: {  	p1 =	sle.u32 @!p3 s5, $0x7;
	[sflag:s0] =	ssyncadd.s32 @!p3 $0xFFFFC000;
	s0 =	simm.s32 @!p3 $0x8  }
0x63: {  	p2 =	por p1, p3;
	s1 =	simm.s32 @!p3 $0x80;
	_ =	swait.ge @!p3 [sflag:s0], $0x4000  }
0x64: {  	s6 =	simm.s32 @!p2 $0x80;
	[sflag:s0] =	ssyncset.done @!p3 $0x0;
	s21 =	rddreg [dreg:$0x7]  }
0x65: {  	s13 =	rddreg [dreg:$0x15];
	[sflag:s0] =	ssyncadd.s32 @!p3 $0xFFFFC000;
	s0 =	simm.s32 @!p2 $0x0  }
0x66: {  	[tilespmem:s6], [sflag:$0x2] =	stream.linear.gather @!p2 [hbm4b:s13+s0], $0x80, $0x38;
	[tilespmem:$0x19380] =	vst v63  }
0x67: {  	s7 =	sadd.s32 @!p2 $0xFFFE0000, s8;
	s10 =	simm.s32 @!p2 $0x4300;
	p1 =	sle.u32 s21, $0x0  }
0x68: {  	[tilespmem:s10], [sflag:$0x2] =	stream.linear.gather @!p2 [hbm4b:s7+s0], $0x4000, $0x38;
	[tilespmem:$0x19380] =	vst v63  }
0x69: {  	s6 =	simm.s32 @!p3 $0x180;
	s0 =	simm.s32 @!p3 $0xC300;
	s7 =	simm.s32 @!p1 $0x5  }
0x6a: {  	[hbm4b:s3+s1] =	stream.indirect.scatter @!p3 [tilespmem:s0], [sflag:$0xA], $0x80, s6, s1, $0xb8;
	[tilespmem:$0x19380] =	vst v63  }
0x6b: {  	_ =	swait.ge @!p1 [sflag:s7], $0x80  }
0x6c: {  	[sflag:s7] =	ssyncset.done @!p1 $0x0  }
0x6d: {  	[sflag:s7] =	ssyncadd.s32 @!p1 $0xFFFFFF80  }
0x6e: {  	_ =	swait.ge @!p1 [sflag:s7], $0x4000  }
0x6f: {  	s28 =	simm.s32 $0xF;
	s29 =	sadd.s32 $0xC00, s25;
	[sflag:s7] =	ssyncset.done @!p1 $0x0  }
0x70: {  	p2 =	sle.u32 @!p1 s5, $0x8;
	s0 =	simm.s32 @!p1 $0x9;
	[sflag:s7] =	ssyncadd.s32 @!p1 $0xFFFFC000  }
0x71: {  	s30 =	sadd.s32 $0x6000, s23;
	p2 =	por p2, p1;
	_ =	swait.ge @!p1 [sflag:s0], $0x4000  }
0x72: {  	s31 =	sadd.s32 $0xC00, s24;
	s6 =	simm.s32 @!p2 $0x100;
	[sflag:s0] =	ssyncset.done @!p1 $0x0  }
0x73: {  	s12 =	rddreg [dreg:$0x14];
	[sflag:s0] =	ssyncadd.s32 @!p1 $0xFFFFC000;
	s0 =	simm.s32 @!p2 $0x0  }
0x74: {  	[tilespmem:s6], [sflag:$0x3] =	stream.linear.gather @!p2 [hbm4b:s12+s0], $0x80, $0x38;
	[tilespmem:$0x19380] =	vst v63  }
0x75: {  	s7 =	simm.s32 @!p2 $0x8300;
	s22 =	rddreg [dreg:$0x8];
	s6 =	sadd.s32 @!p2 $0xFFFF0000, s8  }
0x76: {  	[tilespmem:s7], [sflag:$0x3] =	stream.linear.gather @!p2 [hbm4b:s6+s0], $0x4000, $0x38;
	[tilespmem:$0x19380] =	vst v63  }
0x77: {  	s19 =	smov.u32 s8;
	s10 =	simm.s32 @!p1 $0x10300;
	p2 =	sle.u32 s22, $0x0  }
0x78: {  	s0 =	simm.s32 @!p1 $0x80;
	s6 =	simm.s32 @!p1 $0x200;
	s11 =	simm.s32 @!p2 $0x6  }
0x79: {  	[hbm4b:s3+s0] =	stream.indirect.scatter @!p1 [tilespmem:s10], [sflag:$0xB], $0x80, s6, s0, $0xb8;
	[tilespmem:$0x19380] =	vst v63  }
0x7a: {  	s20 =	smov.u32 s9;
	s1 =	sadd.s32 $0xC00, s13;
	_ =	swait.ge @!p2 [sflag:s11], $0x80  }
0x7b: {  	s7 =	smov.u32 s9;
	p3 =	sle.u32 @!p2 s5, $0x9;
	[sflag:s11] =	ssyncset.done @!p2 $0x0  }
0x7c: {  	s0 =	sadd.s32 $0xC00, s12;
	s6 =	smov.u32 s8;
	[sflag:s11] =	ssyncadd.s32 @!p2 $0xFFFFFF80  }
.LBB2_2:
0x7d: {  	_ =	swait.ge @!p2 [sflag:s11], $0x4000  }
0x7e: {  	[sflag:s11] =	ssyncset.done @!p2 $0x0  }
0x7f: {  	s12 =	simm.s32 @!p2 $0xA;
	[sflag:s11] =	ssyncadd.s32 @!p2 $0xFFFFC000  }
0x80: {  	p4 =	por p3, p2;
	_ =	swait.ge @!p2 [sflag:s12], $0x4000  }
0x81: {  	s10 =	smov.u32 s28;
	s15 =	simm.s32 @!p4 $0x180;
	[sflag:s12] =	ssyncset.done @!p2 $0x0  }
0x82: {  	s11 =	sadd.s32 $0xFFFFFFF7, s10;
	[sflag:s12] =	ssyncadd.s32 @!p2 $0xFFFFC000;
	s12 =	simm.s32 @!p4 $0x0  }
0x83: {  	[tilespmem:s15], [sflag:$0x4] =	stream.linear.gather @!p4 [hbm4b:s7+s12], $0x80, $0x38;
	[tilespmem:$0x19380] =	vst v63  }
0x84: {  	s13 =	simm.s32 @!p2 $0x280;
	p3 =	sge.u32 s11, s5;
	s7 =	simm.s32 @!p4 $0xC300  }
0x85: {  	[tilespmem:s7], [sflag:$0x4] =	stream.linear.gather @!p4 [hbm4b:s6+s12], $0x4000, $0x38;
	[tilespmem:$0x19380] =	vst v63  }
0x86: {  	s14 =	simm.s32 @!p2 $0x80;
	s15 =	simm.s32 @!p2 $0x14300;
	s12 =	simm.s32 @!p3 $0x1  }
0x87: {  	[hbm4b:s3+s14] =	stream.indirect.scatter @!p2 [tilespmem:s15], [sflag:$0xC], $0x80, s13, s14, $0xb8;
	[tilespmem:$0x19380] =	vst v63  }
0x88: {  	_ =	swait.ge @!p3 [sflag:s12], $0x80  }
0x89: {  	[sflag:s12] =	ssyncset.done @!p3 $0x0  }
0x8a: {  	[sflag:s12] =	ssyncadd.s32 @!p3 $0xFFFFFF80  }
0x8b: {  	p4 =	seq.s32 @!p3 s10, $0x9;
	_ =	swait.ge @!p3 [sflag:s12], $0x4000  }
0x8c: {  	s6 =	sadd.s32 @!p3 $0xFFFFFFFB, s10;
	p2 =	por p4, p3;
	[sflag:s12] =	ssyncset.done @!p3 $0x0  }
0x8d: {  	p4 =	sge.u32 @!p3 s6, s5;
	s13 =	simm.s32 @!p2 $0xB;
	[sflag:s12] =	ssyncadd.s32 @!p3 $0xFFFFC000  }
0x8e: {  	s19 =	sadd.s32 $0x60000, s19;
	p4 =	por p4, p3;
	_ =	swait.ge @!p2 [sflag:s13], $0x4000  }
0x8f: {  	s21 =	simm.s32 @!p3 $0x0;
	s14 =	simm.s32 @!p4 $0x0;
	[sflag:s13] =	ssyncset.done @!p2 $0x0  }
0x90: {  	s12 =	simm.s32 @!p4 $0x200;
	s17 =	rddreg [dreg:$0x4];
	[sflag:s13] =	ssyncadd.s32 @!p2 $0xFFFFC000  }
0x91: {  	[tilespmem:s12], [sflag:$0x5] =	stream.linear.gather @!p4 [hbm4b:s29+s14], $0x80, $0x38;
	[tilespmem:$0x19380] =	vst v63  }
0x92: {  	s22 =	simm.s32 @!p4 $0x10300;
	p2 =	sge.u32 s11, s17;
	s12 =	sadd.s32 @!p4 $0xFFFB0000, s19  }
0x93: {  	[tilespmem:s22], [sflag:$0x5] =	stream.linear.gather @!p4 [hbm4b:s12+s14], $0x4000, $0x38;
	[tilespmem:$0x19380] =	vst v63  }
0x94: {  	s15 =	simm.s32 @!p3 $0x300;
	s13 =	simm.s32 @!p3 $0x80;
	s12 =	simm.s32 @!p2 $0x2  }
0x95: {  	[hbm4b:s3+s13] =	stream.indirect.scatter @!p3 [tilespmem:s15], [sflag:$0x7], $0x80, s21, s13, $0xb8;
	[tilespmem:$0x19380] =	vst v63  }
0x96: {  	_ =	swait.ge @!p2 [sflag:s12], $0x80  }
0x97: {  	[sflag:s12] =	ssyncset.done @!p2 $0x0  }
0x98: {  	[sflag:s12] =	ssyncadd.s32 @!p2 $0xFFFFFF80  }
0x99: {  	p4 =	seq.s32 @!p2 s10, $0x9;
	_ =	swait.ge @!p2 [sflag:s12], $0x4000  }
0x9a: {  	s14 =	sadd.s32 @!p2 $0xFFFFFFFC, s10;
	p3 =	por p4, p2;
	[sflag:s12] =	ssyncset.done @!p2 $0x0  }
0x9b: {  	p4 =	sge.u32 @!p2 s14, s5;
	s13 =	simm.s32 @!p3 $0xC;
	[sflag:s12] =	ssyncadd.s32 @!p2 $0xFFFFC000  }
0x9c: {  	p4 =	por p4, p2;
	_ =	swait.ge @!p3 [sflag:s13], $0x4000  }
0x9d: {  	s14 =	simm.s32 @!p4 $0x280;
	[sflag:s13] =	ssyncset.done @!p3 $0x0  }
0x9e: {  	s12 =	simm.s32 @!p4 $0x0;
	s17 =	rddreg [dreg:$0x5];
	[sflag:s13] =	ssyncadd.s32 @!p3 $0xFFFFC000  }
0x9f: {  	[tilespmem:s14], [sflag:$0x6] =	stream.linear.gather @!p4 [hbm4b:s31+s12], $0x80, $0x38;
	[tilespmem:$0x19380] =	vst v63  }
0xa0: {  	s13 =	sadd.s32 @!p4 $0xFFFC0000, s19;
	p3 =	sge.u32 s11, s17;
	s14 =	simm.s32 @!p4 $0x14300  }
0xa1: {  	[tilespmem:s14], [sflag:$0x6] =	stream.linear.gather @!p4 [hbm4b:s13+s12], $0x4000, $0x38;
	[tilespmem:$0x19380] =	vst v63  }
0xa2: {  	s15 =	simm.s32 @!p2 $0x4300;
	s12 =	simm.s32 @!p3 $0x3;
	s14 =	simm.s32 @!p2 $0x80  }
0xa3: {  	[hbm4b:s3+s14] =	stream.indirect.scatter @!p2 [tilespmem:s15], [sflag:$0x8], $0x80, s14, s14, $0xb8;
	[tilespmem:$0x19380] =	vst v63  }
0xa4: {  	_ =	swait.ge @!p3 [sflag:s12], $0x80  }
0xa5: {  	[sflag:s12] =	ssyncset.done @!p3 $0x0  }
0xa6: {  	[sflag:s12] =	ssyncadd.s32 @!p3 $0xFFFFFF80  }
0xa7: {  	_ =	swait.ge @!p3 [sflag:s12], $0x4000  }
0xa8: {  	s13 =	sadd.s32 @!p3 $0xFFFFFFFD, s10;
	[sflag:s12] =	ssyncset.done @!p3 $0x0  }
0xa9: {  	p4 =	sge.u32 @!p3 s13, s5;
	s13 =	simm.s32 @!p3 $0x7;
	[sflag:s12] =	ssyncadd.s32 @!p3 $0xFFFFC000  }
0xaa: {  	p2 =	por p4, p3;
	_ =	swait.ge @!p3 [sflag:s13], $0x4000  }
0xab: {  	s14 =	simm.s32 @!p2 $0x0;
	s12 =	sshrl.u32 @!p2 s30, $0x3;
	[sflag:s13] =	ssyncset.done @!p3 $0x0  }
0xac: {  	s17 =	simm.s32 @!p2 $0x300;
	s12 =	sadd.s32 @!p2 s2, s12;
	[sflag:s13] =	ssyncadd.s32 @!p3 $0xFFFFC000  }
0xad: {  	[tilespmem:s14], [sflag:$0x1] =	stream.linear.gather @!p2 [hbm4b:s12+s14], $0x80, $0x38;
	[tilespmem:$0x19380] =	vst v63  }
0xae: {  	s21 =	rddreg [dreg:$0x6];
	s13 =	sadd.s32 @!p2 $0xFFFD0000, s19;
	s12 =	simm.s32 @!p3 $0x8300  }
0xaf: {  	[tilespmem:s17], [sflag:$0x1] =	stream.linear.gather @!p2 [hbm4b:s13+s14], $0x4000, $0x38;
	[tilespmem:$0x19380] =	vst v63  }
0xb0: {  	s13 =	simm.s32 @!p3 $0x80;
	s14 =	simm.s32 @!p3 $0x100;
	p2 =	sge.u32 s11, s21  }
0xb1: {  	[hbm4b:s3+s13] =	stream.indirect.scatter @!p3 [tilespmem:s12], [sflag:$0x9], $0x80, s14, s13, $0xb8;
	[tilespmem:$0x19380] =	vst v63  }
0xb2: {  	s12 =	simm.s32 @!p2 $0x4  }
0xb3: {  	_ =	swait.ge @!p2 [sflag:s12], $0x80  }
0xb4: {  	[sflag:s12] =	ssyncset.done @!p2 $0x0  }
0xb5: {  	[sflag:s12] =	ssyncadd.s32 @!p2 $0xFFFFFF80  }
0xb6: {  	_ =	swait.ge @!p2 [sflag:s12], $0x4000  }
0xb7: {  	s13 =	sadd.s32 @!p2 $0xFFFFFFFE, s10;
	[sflag:s12] =	ssyncset.done @!p2 $0x0  }
0xb8: {  	p3 =	sge.u32 @!p2 s13, s5;
	[sflag:s12] =	ssyncadd.s32 @!p2 $0xFFFFC000;
	s12 =	simm.s32 @!p2 $0x8  }
0xb9: {  	p4 =	por p3, p2;
	_ =	swait.ge @!p2 [sflag:s12], $0x4000  }
0xba: {  	s15 =	simm.s32 @!p2 $0xC300;
	s14 =	simm.s32 @!p4 $0x80;
	[sflag:s12] =	ssyncset.done @!p2 $0x0  }
0xbb: {  	s22 =	rddreg [dreg:$0x7];
	[sflag:s12] =	ssyncadd.s32 @!p2 $0xFFFFC000;
	s12 =	simm.s32 @!p4 $0x0  }
0xbc: {  	[tilespmem:s14], [sflag:$0x2] =	stream.linear.gather @!p4 [hbm4b:s1+s12], $0x80, $0x38;
	[tilespmem:$0x19380] =	vst v63  }
0xbd: {  	s17 =	sadd.s32 @!p4 $0xFFFE0000, s19;
	s21 =	simm.s32 @!p4 $0x4300;
	p3 =	sge.u32 s11, s22  }
0xbe: {  	[tilespmem:s21], [sflag:$0x2] =	stream.linear.gather @!p4 [hbm4b:s17+s12], $0x4000, $0x38;
	[tilespmem:$0x19380] =	vst v63  }
0xbf: {  	s14 =	simm.s32 @!p2 $0x180;
	s13 =	simm.s32 @!p3 $0x5;
	s12 =	simm.s32 @!p2 $0x80  }
0xc0: {  	[hbm4b:s3+s12] =	stream.indirect.scatter @!p2 [tilespmem:s15], [sflag:$0xA], $0x80, s14, s12, $0xb8;
	[tilespmem:$0x19380] =	vst v63  }
0xc1: {  	_ =	swait.ge @!p3 [sflag:s13], $0x80  }
0xc2: {  	[sflag:s13] =	ssyncset.done @!p3 $0x0  }
0xc3: {  	[sflag:s13] =	ssyncadd.s32 @!p3 $0xFFFFFF80  }
0xc4: {  	s28 =	sadd.s32 $0x6, s28;
	_ =	swait.ge @!p3 [sflag:s13], $0x4000  }
0xc5: {  	s20 =	sadd.s32 $0xC00, s20;
	p1 =	sne.s32 s28, $0x27;
	[sflag:s13] =	ssyncset.done @!p3 $0x0  }
0xc6: {  	s17 =	sadd.s32 @!p3 $0xFFFFFFFF, s10;
	s12 =	simm.s32 @!p3 $0x9;
	[sflag:s13] =	ssyncadd.s32 @!p3 $0xFFFFC000  }
0xc7: {  	s7 =	smov.u32 s20;
	p2 =	sge.u32 @!p3 s17, s5;
	_ =	swait.ge @!p3 [sflag:s12], $0x4000  }
0xc8: {  	s6 =	smov.u32 s19;
	p2 =	por p2, p3;
	[sflag:s12] =	ssyncset.done @!p3 $0x0  }
0xc9: {  	s14 =	simm.s32 @!p2 $0x100;
	[sflag:s12] =	ssyncadd.s32 @!p3 $0xFFFFC000;
	s12 =	simm.s32 @!p2 $0x0  }
0xca: {  	[tilespmem:s14], [sflag:$0x3] =	stream.linear.gather @!p2 [hbm4b:s0+s12], $0x80, $0x38;
	[tilespmem:$0x19380] =	vst v63  }
0xcb: {  	s15 =	simm.s32 @!p2 $0x8300;
	s22 =	rddreg [dreg:$0x8];
	s14 =	sadd.s32 @!p2 $0xFFFF0000, s19  }
0xcc: {  	[tilespmem:s15], [sflag:$0x3] =	stream.linear.gather @!p2 [hbm4b:s14+s12], $0x4000, $0x38;
	[tilespmem:$0x19380] =	vst v63  }
0xcd: {  	s17 =	simm.s32 @!p3 $0x10300;
	s12 =	simm.s32 @!p3 $0x80;
	p2 =	sge.u32 s11, s22  }
.Ltmp0:
0xce: {  	s14 =	simm.s32 @!p3 $0x200;
	s11 =	simm.s32 @!p2 $0x6;
	(pc) =	sbr.rel @p1 .LBB2_2-.Ltmp0, $4  }
0xcf: {  	[hbm4b:s3+s12] =	stream.indirect.scatter @!p3 [tilespmem:s17], [sflag:$0xB], $0x80, s14, s12, $0xb8;
	[tilespmem:$0x19380] =	vst v63  }
0xd0: {  	s29 =	sadd.s32 $0xC00, s29;
	s31 =	sadd.s32 $0xC00, s31;
	_ =	swait.ge @!p2 [sflag:s11], $0x80  }
0xd1: {  	s30 =	sadd.s32 $0x6000, s30;
	s1 =	sadd.s32 $0xC00, s1;
	[sflag:s11] =	ssyncset.done @!p2 $0x0  }
0xd2: {  	s0 =	sadd.s32 $0xC00, s0;
	p3 =	sge.u32 @!p2 s10, s5;
	[sflag:s11] =	ssyncadd.s32 @!p2 $0xFFFFFF80  }
0xd3: {  	_ =	swait.ge @!p2 [sflag:s11], $0x4000  }
0xd4: {  	[sflag:s11] =	ssyncset.done @!p2 $0x0  }
0xd5: {  	s0 =	simm.s32 @!p2 $0xA;
	[sflag:s11] =	ssyncadd.s32 @!p2 $0xFFFFC000  }
0xd6: {  	_ =	swait.ge @!p2 [sflag:s0], $0x4000  }
0xd7: {  	p1 =	por p3, p2;
	[sflag:s0] =	ssyncset.done @!p2 $0x0  }
0xd8: {  	s1 =	simm.s32 @!p1 $0x180;
	[sflag:s0] =	ssyncadd.s32 @!p2 $0xFFFFC000;
	s0 =	simm.s32 @!p1 $0x0  }
0xd9: {  	[tilespmem:s1], [sflag:$0x4] =	stream.linear.gather @!p1 [hbm4b:s7+s0], $0x80, $0x38;
	[tilespmem:$0x19380] =	vst v63  }
0xda: {  	s1 =	simm.s32 @!p1 $0xC300  }
0xdb: {  	[tilespmem:s1], [sflag:$0x4] =	stream.linear.gather @!p1 [hbm4b:s6+s0], $0x4000, $0x38;
	[tilespmem:$0x19380] =	vst v63  }
0xdc: {  	s0 =	simm.s32 @!p2 $0x280;
	s1 =	simm.s32 @!p2 $0x80;
	s6 =	simm.s32 @!p2 $0x14300  }
0xdd: {  	[hbm4b:s3+s1] =	stream.indirect.scatter @!p2 [tilespmem:s6], [sflag:$0xC], $0x80, s0, s1, $0xb8;
	[tilespmem:$0x19380] =	vst v63  }
0xde: {  	_ =	swait.ge [sflag:s16], $0x4000  }
0xdf: {  	[sflag:s16] =	ssyncset.done $0x0  }
0xe0: {  	[sflag:s16] =	ssyncadd.s32 $0xFFFFC000  }
0xe1: {  	_ =	swait.ge [sflag:s18], $0x4000  }
0xe2: {  	s0 =	simm.s32 @!p0 $0x0;
	[sflag:s18] =	ssyncset.done $0x0  }
0xe3: {  	s1 =	simm.s32 @!p0 $0x18300;
	s6 =	rddreg [dreg:$0x11];
	[sflag:s18] =	ssyncadd.s32 $0xFFFFC000  }
0xe4: {  	[tilespmem:s1], [sflag:$0xD] =	stream.linear.gather @!p0 [hbm4b:s6+s0], $0x20, $0x38;
	[tilespmem:$0x19380] =	vst v63  }
0xe5: {  	s6 =	simm.s32 @!p0 $0xD  }
0xe6: {  	_ =	swait.ge @!p0 [sflag:s6], $0x20  }
0xe7: {  	[sflag:s6] =	ssyncset.done @!p0 $0x0  }
0xe8: {  	s7 =	simm.s32 @!p0 $0x18380;
	s10 =	rddreg [dreg:$0x12];
	[sflag:s6] =	ssyncadd.s32 @!p0 $0xFFFFFFE0  }
0xe9: {  	[tilespmem:s7], [sflag:$0xD] =	stream.linear.gather @!p0 [hbm4b:s10+s0], $0x1000, $0x38;
	[tilespmem:$0x19380] =	vst v63  }
0xea: {  	_ =	swait.ge @!p0 [sflag:s6], $0x1000  }
0xeb: {  	[sflag:s6] =	ssyncset.done @!p0 $0x0  }
0xec: {  	s0 =	simm.s32 @!p0 $0x20;
	[sflag:s6] =	ssyncadd.s32 @!p0 $0xFFFFF000  }
0xed: {  	[hbm4b:s3+s0] =	stream.indirect.scatter @!p0 [tilespmem:s7], [sflag:$0x1], $0x80, s1, s0, $0xb8;
	[tilespmem:$0x19380] =	vst v63  }
0xee: {  	s0 =	simm.s32 @!p0 $0x1  }
0xef: {  	_ =	swait.ge @!p0 [sflag:s0], $0x1000  }
0xf0: {  	s26 =	sadd.s32 $0x1, s26;
	s31 =	rddreg [dreg:$0x13]  }
0xf1: {  	p1 =	sne.s32 s26, s31  }
.Ltmp1:
0xf2: {  	_ = 	snop;
	(pc) =	sbr.rel @p1 .LBB2_1-.Ltmp1, $3  }
0xf3: {  	_ =	sdelay $0x1  }
0xf4: {  	[sflag:s0] =	ssyncset.done @!p0 $0x0  }
0xf5: {  	[sflag:s0] =	ssyncadd.s32 @!p0 $0xFFFFF000  }
0xf6: {  	_ =	sfence.sel $0x180000  }
0xf7: {  	[bflag:$0x0] =	sbarrier.arrive $0xFFFF  }
0xf8: {  	_ =	strace $0x90000047  }
0xf9: {  	s0 =	stileid.u32;
	[bflag:$0x2] =	sbarrier.arrive $0xFFFF  }
0xfa: {  	p0 =	sne.s32 s0, $0x0;
	s0 =	rddreg [dreg:$0x3]  }
0xfb: {  	s0 =	sadd.s32 @!p0 $0x100000, s0  }
0xfc: {  	[sflag:s0] =	ssyncadd.tile.s32 @!p0 $0x1;
	_ =	shalt  }
.Lfunc_end2:
_tile_overlayer_lowered:
.L_overlay_start_2:
0xfd: {  	(tag) =	ssettag $0x2  }
0xfe: {  	s0 =	rddreg [dreg:$0x0];
	s2 =	stileid.u32  }
0xff: {  	s1 =	rddreg [dreg:$0x1];
	p0 =	sne.s32 s2, $0x0  }
0x100: {  	s3 =	rddreg [dreg:$0x2];
	[bflag:$0x3] =	sbarrier.arrive $0xFFFF;
	s2 =	simm.s32 @!p0 $0x1C0D  }
0x101: {  	[timem:s3], [sflag:s2] =	dma.local @!p0 [hbm:s0], s1  }
0x102: {  	s0 =	simm.s32 @!p0 $0xD  }
0x103: {  	_ =	swait.ge @!p0 [sflag:s0], s1  }
0x104: {  	s1 =	ssub.s32 @!p0 $0x0, s1;
	[sflag:s0] =	ssyncset.done @!p0 $0x0  }
0x105: {  	[sflag:s0] =	ssyncadd.s32 @!p0 s1  }
0x106: {  	[bflag:$0x3] =	sbarrier.arrive $0xFFFF  }
0x107: {  	_ =	shalt  }

</sc_bundles>
